<compile_context>
chip_gen: v7x
topology: tpu7x:2x2x1
jax: 0.10.2.dev20260603
libtpu: 0.0.44.dev20260713+nightly
codegen_flags: <defaults>
</compile_context>

<pallas_src>
import jax
import jax.numpy as jnp
from jax import lax
from jax.experimental import pallas as pl
from jax.experimental.pallas import tpu as pltpu
from jax.experimental.pallas import tpu_sc as plsc

_NUM_ROWS = 10
_EMB_DIM = 5
_L = 16
_NC, _NS = 2, 16
_NW = _NC * _NS
_ROWS, _COLS = 16384, 200
_CPW = _ROWS // _NW
_CC = 128
_NCHUNK = _CPW // _CC
_VPR = _CC // _L
_NACC = 4
_RUNROLL = 2


def _sc_body(idx_hbm, w_hbm, out_hbm, idx_v0, idx_v1, w_v, acc_v,
             sem0, sem1):
    wid = lax.axis_index("s") * _NC + lax.axis_index("c")
    c0 = wid * _CPW
    bufs, sems = (idx_v0, idx_v1), (sem0, sem1)

    def start(c):
        return pltpu.async_copy(
            idx_hbm.at[:, pl.ds(c0 + c * _CC, _CC)], bufs[c % 2],
            sems[c % 2])

    cps = [None] * _NCHUNK
    cps[0] = start(0)
    cps[1] = start(1)

    zero = jnp.zeros((_L,), jnp.float32)
    pltpu.sync_copy(w_hbm, w_v)
    rs = w_v[pl.ds(0, _L)]
    for dcol in range(1, _EMB_DIM):
        rs = rs + w_v[pl.ds(dcol * _L, _L)]

    def make_body(buf):
        def body(i, accs):
            out = list(accs)
            n = 0
            for rr in range(_RUNROLL):
                r = i * _RUNROLL + rr
                for u in range(_VPR):
                    v = buf[r, pl.ds(u * _L, _L)]
                    out[n % _NACC] = out[n % _NACC] + rs.at[v].get(
                        mode="promise_in_bounds")
                    n += 1
            return tuple(out)
        return body

    accs = (zero,) * _NACC
    for c in range(_NCHUNK):
        cps[c].wait()
        accs = lax.fori_loop(
            0, _COLS // _RUNROLL, make_body(bufs[c % 2]), accs)
        if c + 2 < _NCHUNK:
            cps[c + 2] = start(c + 2)
    acc = accs[0]
    for u in range(1, _NACC):
        acc = acc + accs[u]
    acc_v[...] = acc
    pltpu.sync_copy(acc_v, out_hbm.at[wid])


_sc_call = pl.kernel(
    _sc_body,
    out_type=jax.ShapeDtypeStruct((_NW, _L), jnp.float32),
    mesh=plsc.VectorSubcoreMesh(core_axis_name="c", subcore_axis_name="s"),
    scratch_types=[
        pltpu.VMEM((_COLS, _CC), jnp.int32),
        pltpu.VMEM((_COLS, _CC), jnp.int32),
        pltpu.VMEM((_L * _L,), jnp.float32),
        pltpu.VMEM((_L,), jnp.float32),
        pltpu.SemaphoreType.DMA,
        pltpu.SemaphoreType.DMA,
    ],
)


def _sum_body(x_ref, o_ref):
    o_ref[...] = jnp.sum(x_ref[...], axis=(0, 1), keepdims=True)


def _final_sum(x):
    return jnp.reshape(pl.pallas_call(
        _sum_body,
        out_shape=jax.ShapeDtypeStruct((1, 1), jnp.float32),
    )(x), ())


def kernel(indices, weight):
    w_pad = (jnp.zeros((_L, _L), jnp.float32)
             .at[:_EMB_DIM, :_NUM_ROWS].set(weight.T).reshape(-1))
    partials = _sc_call(indices.T, w_pad)
    return _final_sum(partials)

# --- scband reference (transcript-rebuilt; emitter-appended) ---
"""Pipeline reference for scband-my-model-61933428408934 (READ-ONLY COPY).

The authoritative reference and input builder live on the scoring server;
editing this copy changes nothing except your own understanding.
"""

import jax, jax.numpy as jnp
import numpy as np


def setup_inputs(seed: int = 0) -> dict:
    key = jax.random.key(seed)
    k_idx, k_w = jax.random.split(key)
    indices = jax.random.randint(k_idx, (16384, 200), 0, 10, dtype=jnp.int64 if jax.config.jax_enable_x64 else jnp.int32)
    weight = jax.random.uniform(k_w, (10, 5), dtype=jnp.float32)
    return {"indices": indices, "weight": weight}


def reference(indices, weight):
    # F.embedding(indices, weight) -> gather rows, then sum over all elements
    out = jnp.take(weight, indices, axis=0)
    return out.sum()

if __name__ == "__main__":
    import jax
    _d = setup_inputs()
    print(jax.jit(kernel)(*tuple(_d.values())))

</pallas_src>

<mosaic_0001>
#map = affine_map<(d0, d1) -> (0, 0)>
#map1 = affine_map<(d0, d1) -> (0)>
module attributes {stable_mosaic.version = 14 : i64} {
  func.func @_sc_body(%arg0: i32, %arg1: i32, %arg2: memref<200x16384xi32, #tpu.memory_space<hbm>>, %arg3: memref<256xf32, #tpu.memory_space<hbm>>, %arg4: memref<32x16xf32, #tpu.memory_space<hbm>>, %arg5: memref<200x128xi32, #tpu.memory_space<vmem>>, %arg6: memref<200x128xi32, #tpu.memory_space<vmem>>, %arg7: memref<256xf32, #tpu.memory_space<vmem>>, %arg8: memref<16xf32, #tpu.memory_space<vmem>>, %arg9: memref<!tpu.dma_semaphore, #tpu.memory_space<semaphore_mem>>, %arg10: memref<!tpu.dma_semaphore, #tpu.memory_space<semaphore_mem>>) attributes {dimension_semantics = [#tpu.dimension_semantics<core_parallel>, #tpu.dimension_semantics<subcore_parallel>], iteration_bounds = array<i64: 2, 16>, scalar_prefetch = 0 : i64, scratch_operands = 6 : i64, tpu.core_type = #tpu.core_type<sc_vector_subcore>, window_params = [{transform_indices = #map}, {transform_indices = #map1}, {transform_indices = #map}]} {
    %mul3A = arith.constant 2 : i32
    %mul3A_0 = arith.muli %arg1, %mul3A : i32
    %add3A = arith.addi %mul3A_0, %arg0 : i32
    %mul3A_1 = arith.constant 512 : i32
    %mul3A_2 = arith.muli %add3A, %mul3A_1 : i32
    %add3A_3 = arith.constant 0 : i32
    %add3A_4 = arith.addi %mul3A_2, %add3A_3 : i32
    %dma_start3A = arith.constant 0 : i32
    %dma_start3A_5 = tpu.memref_slice %arg2[%dma_start3A, %add3A_4] : memref<200x16384xi32, #tpu.memory_space<hbm>> -> memref<200x128xi32, #tpu.memory_space<hbm>>
    %dma_start3A_6 = arith.constant 0 : i32
    %dma_start3A_7 = tpu.memref_slice %arg2[%dma_start3A_6, %add3A_4] : memref<200x16384xi32, #tpu.memory_space<hbm>> -> memref<200x128xi32, #tpu.memory_space<hbm>>
    tpu.enqueue_dma source(%dma_start3A_7 : memref<200x128xi32, #tpu.memory_space<hbm>>) target(%arg5 : memref<200x128xi32, #tpu.memory_space<vmem>>) target_semaphore(%arg9 : memref<!tpu.dma_semaphore, #tpu.memory_space<semaphore_mem>>)
    %add3A_8 = arith.constant 128 : i32
    %add3A_9 = arith.addi %mul3A_2, %add3A_8 : i32
    %dma_start3A_10 = arith.constant 0 : i32
    %dma_start3A_11 = tpu.memref_slice %arg2[%dma_start3A_10, %add3A_9] : memref<200x16384xi32, #tpu.memory_space<hbm>> -> memref<200x128xi32, #tpu.memory_space<hbm>>
    %dma_start3A_12 = arith.constant 0 : i32
    %dma_start3A_13 = tpu.memref_slice %arg2[%dma_start3A_12, %add3A_9] : memref<200x16384xi32, #tpu.memory_space<hbm>> -> memref<200x128xi32, #tpu.memory_space<hbm>>
    tpu.enqueue_dma source(%dma_start3A_13 : memref<200x128xi32, #tpu.memory_space<hbm>>) target(%arg6 : memref<200x128xi32, #tpu.memory_space<vmem>>) target_semaphore(%arg10 : memref<!tpu.dma_semaphore, #tpu.memory_space<semaphore_mem>>)
    %broadcast_in_dim3A = arith.constant 0.000000e+00 : f32
    %broadcast_in_dim3A_14 = vector.broadcast %broadcast_in_dim3A : f32 to vector<16xf32>
    "tpu.region"() ({
      %run_scoped3A = tpu.sem_alloc : memref<!tpu.dma_semaphore, #tpu.memory_space<semaphore_mem>>
      tpu.enqueue_dma source(%arg3 : memref<256xf32, #tpu.memory_space<hbm>>) target(%arg7 : memref<256xf32, #tpu.memory_space<vmem>>) target_semaphore(%run_scoped3A : memref<!tpu.dma_semaphore, #tpu.memory_space<semaphore_mem>>)
      tpu.wait_dma2 semaphore(%run_scoped3A : memref<!tpu.dma_semaphore, #tpu.memory_space<semaphore_mem>>) src(%arg3 : memref<256xf32, #tpu.memory_space<hbm>>) dst(%arg7 : memref<256xf32, #tpu.memory_space<vmem>>)
      tpu.yield
    }) : () -> ()
    %get3A = arith.constant 0 : index
    %get3A_15 = tpu.vector_load %arg7[%get3A] {strides = array<i32>} : memref<256xf32, #tpu.memory_space<vmem>>, vector<16xf32>,
    %get3A_16 = vector.shape_cast %get3A_15 : vector<16xf32> to vector<16xf32>
    %get3A_17 = arith.constant 16 : index
    %get3A_18 = tpu.vector_load %arg7[%get3A_17] {strides = array<i32>} : memref<256xf32, #tpu.memory_space<vmem>>, vector<16xf32>,
    %get3A_19 = vector.shape_cast %get3A_18 : vector<16xf32> to vector<16xf32>
    %add3A_20 = arith.addf %get3A_16, %get3A_19 : vector<16xf32>
    %get3A_21 = arith.constant 32 : index
    %get3A_22 = tpu.vector_load %arg7[%get3A_21] {strides = array<i32>} : memref<256xf32, #tpu.memory_space<vmem>>, vector<16xf32>,
    %get3A_23 = vector.shape_cast %get3A_22 : vector<16xf32> to vector<16xf32>
    %add3A_24 = arith.addf %add3A_20, %get3A_23 : vector<16xf32>
    %get3A_25 = arith.constant 48 : index
    %get3A_26 = tpu.vector_load %arg7[%get3A_25] {strides = array<i32>} : memref<256xf32, #tpu.memory_space<vmem>>, vector<16xf32>,
    %get3A_27 = vector.shape_cast %get3A_26 : vector<16xf32> to vector<16xf32>
    %add3A_28 = arith.addf %add3A_24, %get3A_27 : vector<16xf32>
    %get3A_29 = arith.constant 64 : index
    %get3A_30 = tpu.vector_load %arg7[%get3A_29] {strides = array<i32>} : memref<256xf32, #tpu.memory_space<vmem>>, vector<16xf32>,
    %get3A_31 = vector.shape_cast %get3A_30 : vector<16xf32> to vector<16xf32>
    %add3A_32 = arith.addf %add3A_28, %get3A_31 : vector<16xf32>
    %dma_wait3A = arith.constant 0 : i32
    %dma_wait3A_33 = tpu.memref_slice %arg2[%dma_wait3A, %add3A_4] : memref<200x16384xi32, #tpu.memory_space<hbm>> -> memref<200x128xi32, #tpu.memory_space<hbm>>
    %dma_wait3A_34 = arith.constant 0 : i32
    %dma_wait3A_35 = tpu.memref_slice %arg2[%dma_wait3A_34, %add3A_4] : memref<200x16384xi32, #tpu.memory_space<hbm>> -> memref<200x128xi32, #tpu.memory_space<hbm>>
    tpu.wait_dma2 semaphore(%arg9 : memref<!tpu.dma_semaphore, #tpu.memory_space<semaphore_mem>>) src(%dma_wait3A_35 : memref<200x128xi32, #tpu.memory_space<hbm>>) dst(%arg5 : memref<200x128xi32, #tpu.memory_space<vmem>>)
    %scan3A = arith.constant 0 : i32
    %scan3A_36 = arith.constant 100 : i32
    %scan3A_37 = arith.addi %scan3A, %scan3A_36 : i32
    %scan3A_38 = arith.constant 1 : i32
    %scan3A_39:4 = scf.for %scan3A_89 = %scan3A to %scan3A_37 step %scan3A_38 iter_args(%scan3A_90 = %broadcast_in_dim3A_14, %scan3A_91 = %broadcast_in_dim3A_14, %scan3A_92 = %broadcast_in_dim3A_14, %scan3A_93 = %broadcast_in_dim3A_14) -> (vector<16xf32>, vector<16xf32>, vector<16xf32>, vector<16xf32>)  : i32 {
      %mul3A_94 = arith.constant 2 : i32
      %mul3A_95 = arith.muli %scan3A_89, %mul3A_94 : i32
      %add3A_96 = arith.constant 0 : i32
      %add3A_97 = arith.addi %mul3A_95, %add3A_96 : i32
      %get3A_98 = arith.index_cast %add3A_97 : i32 to index
      %get3A_99 = arith.constant 0 : index
      %get3A_100 = tpu.vector_load %arg5[%get3A_98, %get3A_99] {strides = array<i32>} : memref<200x128xi32, #tpu.memory_space<vmem>>, vector<1x16xi32>,
      %get3A_101 = vector.shape_cast %get3A_100 : vector<1x16xi32> to vector<16xi32>
      %lt3A = arith.constant 0 : i32
      %lt3A_102 = vector.broadcast %lt3A : i32 to vector<16xi32>
      %lt3A_103 = arith.cmpi slt, %get3A_101, %lt3A_102 : vector<16xi32>
      %add3A_104 = arith.constant 16 : i32
      %add3A_105 = vector.broadcast %add3A_104 : i32 to vector<16xi32>
      %add3A_106 = arith.addi %get3A_101, %add3A_105 : vector<16xi32>
      %select_n3A = arith.select %lt3A_103, %add3A_106, %get3A_101 : vector<16xi1>, vector<16xi32>
      %broadcast_in_dim3A_107 = vector.shape_cast %select_n3A : vector<16xi32> to vector<16x1xi32>
      %gather3A = vector.shape_cast %broadcast_in_dim3A_107 : vector<16x1xi32> to vector<16xi32>
      %gather3A_108 = tpu.dynamic_gather %add3A_32[%gather3A] in [0] : vector<16xf32>, vector<16xi32> -> vector<16xf32>
      %add3A_109 = arith.addf %scan3A_90, %gather3A_108 : vector<16xf32>
      %get3A_110 = arith.index_cast %add3A_97 : i32 to index
      %get3A_111 = arith.constant 16 : index
      %get3A_112 = tpu.vector_load %arg5[%get3A_110, %get3A_111] {strides = array<i32>} : memref<200x128xi32, #tpu.memory_space<vmem>>, vector<1x16xi32>,
      %get3A_113 = vector.shape_cast %get3A_112 : vector<1x16xi32> to vector<16xi32>
      %lt3A_114 = arith.constant 0 : i32
      %lt3A_115 = vector.broadcast %lt3A_114 : i32 to vector<16xi32>
      %lt3A_116 = arith.cmpi slt, %get3A_113, %lt3A_115 : vector<16xi32>
      %add3A_117 = arith.constant 16 : i32
      %add3A_118 = vector.broadcast %add3A_117 : i32 to vector<16xi32>
      %add3A_119 = arith.addi %get3A_113, %add3A_118 : vector<16xi32>
      %select_n3A_120 = arith.select %lt3A_116, %add3A_119, %get3A_113 : vector<16xi1>, vector<16xi32>
      %broadcast_in_dim3A_121 = vector.shape_cast %select_n3A_120 : vector<16xi32> to vector<16x1xi32>
      %gather3A_122 = vector.shape_cast %broadcast_in_dim3A_121 : vector<16x1xi32> to vector<16xi32>
      %gather3A_123 = tpu.dynamic_gather %add3A_32[%gather3A_122] in [0] : vector<16xf32>, vector<16xi32> -> vector<16xf32>
      %add3A_124 = arith.addf %scan3A_91, %gather3A_123 : vector<16xf32>
      %get3A_125 = arith.index_cast %add3A_97 : i32 to index
      %get3A_126 = arith.constant 32 : index
      %get3A_127 = tpu.vector_load %arg5[%get3A_125, %get3A_126] {strides = array<i32>} : memref<200x128xi32, #tpu.memory_space<vmem>>, vector<1x16xi32>,
      %get3A_128 = vector.shape_cast %get3A_127 : vector<1x16xi32> to vector<16xi32>
      %lt3A_129 = arith.constant 0 : i32
      %lt3A_130 = vector.broadcast %lt3A_129 : i32 to vector<16xi32>
      %lt3A_131 = arith.cmpi slt, %get3A_128, %lt3A_130 : vector<16xi32>
      %add3A_132 = arith.constant 16 : i32
      %add3A_133 = vector.broadcast %add3A_132 : i32 to vector<16xi32>
      %add3A_134 = arith.addi %get3A_128, %add3A_133 : vector<16xi32>
      %select_n3A_135 = arith.select %lt3A_131, %add3A_134, %get3A_128 : vector<16xi1>, vector<16xi32>
      %broadcast_in_dim3A_136 = vector.shape_cast %select_n3A_135 : vector<16xi32> to vector<16x1xi32>
      %gather3A_137 = vector.shape_cast %broadcast_in_dim3A_136 : vector<16x1xi32> to vector<16xi32>
      %gather3A_138 = tpu.dynamic_gather %add3A_32[%gather3A_137] in [0] : vector<16xf32>, vector<16xi32> -> vector<16xf32>
      %add3A_139 = arith.addf %scan3A_92, %gather3A_138 : vector<16xf32>
      %get3A_140 = arith.index_cast %add3A_97 : i32 to index
      %get3A_141 = arith.constant 48 : index
      %get3A_142 = tpu.vector_load %arg5[%get3A_140, %get3A_141] {strides = array<i32>} : memref<200x128xi32, #tpu.memory_space<vmem>>, vector<1x16xi32>,
      %get3A_143 = vector.shape_cast %get3A_142 : vector<1x16xi32> to vector<16xi32>
      %lt3A_144 = arith.constant 0 : i32
      %lt3A_145 = vector.broadcast %lt3A_144 : i32 to vector<16xi32>
      %lt3A_146 = arith.cmpi slt, %get3A_143, %lt3A_145 : vector<16xi32>
      %add3A_147 = arith.constant 16 : i32
      %add3A_148 = vector.broadcast %add3A_147 : i32 to vector<16xi32>
      %add3A_149 = arith.addi %get3A_143, %add3A_148 : vector<16xi32>
      %select_n3A_150 = arith.select %lt3A_146, %add3A_149, %get3A_143 : vector<16xi1>, vector<16xi32>
      %broadcast_in_dim3A_151 = vector.shape_cast %select_n3A_150 : vector<16xi32> to vector<16x1xi32>
      %gather3A_152 = vector.shape_cast %broadcast_in_dim3A_151 : vector<16x1xi32> to vector<16xi32>
      %gather3A_153 = tpu.dynamic_gather %add3A_32[%gather3A_152] in [0] : vector<16xf32>, vector<16xi32> -> vector<16xf32>
      %add3A_154 = arith.addf %scan3A_93, %gather3A_153 : vector<16xf32>
      %get3A_155 = arith.index_cast %add3A_97 : i32 to index
      %get3A_156 = arith.constant 64 : index
      %get3A_157 = tpu.vector_load %arg5[%get3A_155, %get3A_156] {strides = array<i32>} : memref<200x128xi32, #tpu.memory_space<vmem>>, vector<1x16xi32>,
      %get3A_158 = vector.shape_cast %get3A_157 : vector<1x16xi32> to vector<16xi32>
      %lt3A_159 = arith.constant 0 : i32
      %lt3A_160 = vector.broadcast %lt3A_159 : i32 to vector<16xi32>
      %lt3A_161 = arith.cmpi slt, %get3A_158, %lt3A_160 : vector<16xi32>
      %add3A_162 = arith.constant 16 : i32
      %add3A_163 = vector.broadcast %add3A_162 : i32 to vector<16xi32>
      %add3A_164 = arith.addi %get3A_158, %add3A_163 : vector<16xi32>
      %select_n3A_165 = arith.select %lt3A_161, %add3A_164, %get3A_158 : vector<16xi1>, vector<16xi32>
      %broadcast_in_dim3A_166 = vector.shape_cast %select_n3A_165 : vector<16xi32> to vector<16x1xi32>
      %gather3A_167 = vector.shape_cast %broadcast_in_dim3A_166 : vector<16x1xi32> to vector<16xi32>
      %gather3A_168 = tpu.dynamic_gather %add3A_32[%gather3A_167] in [0] : vector<16xf32>, vector<16xi32> -> vector<16xf32>
      %add3A_169 = arith.addf %add3A_109, %gather3A_168 : vector<16xf32>
      %get3A_170 = arith.index_cast %add3A_97 : i32 to index
      %get3A_171 = arith.constant 80 : index
      %get3A_172 = tpu.vector_load %arg5[%get3A_170, %get3A_171] {strides = array<i32>} : memref<200x128xi32, #tpu.memory_space<vmem>>, vector<1x16xi32>,
      %get3A_173 = vector.shape_cast %get3A_172 : vector<1x16xi32> to vector<16xi32>
      %lt3A_174 = arith.constant 0 : i32
      %lt3A_175 = vector.broadcast %lt3A_174 : i32 to vector<16xi32>
      %lt3A_176 = arith.cmpi slt, %get3A_173, %lt3A_175 : vector<16xi32>
      %add3A_177 = arith.constant 16 : i32
      %add3A_178 = vector.broadcast %add3A_177 : i32 to vector<16xi32>
      %add3A_179 = arith.addi %get3A_173, %add3A_178 : vector<16xi32>
      %select_n3A_180 = arith.select %lt3A_176, %add3A_179, %get3A_173 : vector<16xi1>, vector<16xi32>
      %broadcast_in_dim3A_181 = vector.shape_cast %select_n3A_180 : vector<16xi32> to vector<16x1xi32>
      %gather3A_182 = vector.shape_cast %broadcast_in_dim3A_181 : vector<16x1xi32> to vector<16xi32>
      %gather3A_183 = tpu.dynamic_gather %add3A_32[%gather3A_182] in [0] : vector<16xf32>, vector<16xi32> -> vector<16xf32>
      %add3A_184 = arith.addf %add3A_124, %gather3A_183 : vector<16xf32>
      %get3A_185 = arith.index_cast %add3A_97 : i32 to index
      %get3A_186 = arith.constant 96 : index
      %get3A_187 = tpu.vector_load %arg5[%get3A_185, %get3A_186] {strides = array<i32>} : memref<200x128xi32, #tpu.memory_space<vmem>>, vector<1x16xi32>,
      %get3A_188 = vector.shape_cast %get3A_187 : vector<1x16xi32> to vector<16xi32>
      %lt3A_189 = arith.constant 0 : i32
      %lt3A_190 = vector.broadcast %lt3A_189 : i32 to vector<16xi32>
      %lt3A_191 = arith.cmpi slt, %get3A_188, %lt3A_190 : vector<16xi32>
      %add3A_192 = arith.constant 16 : i32
      %add3A_193 = vector.broadcast %add3A_192 : i32 to vector<16xi32>
      %add3A_194 = arith.addi %get3A_188, %add3A_193 : vector<16xi32>
      %select_n3A_195 = arith.select %lt3A_191, %add3A_194, %get3A_188 : vector<16xi1>, vector<16xi32>
      %broadcast_in_dim3A_196 = vector.shape_cast %select_n3A_195 : vector<16xi32> to vector<16x1xi32>
      %gather3A_197 = vector.shape_cast %broadcast_in_dim3A_196 : vector<16x1xi32> to vector<16xi32>
      %gather3A_198 = tpu.dynamic_gather %add3A_32[%gather3A_197] in [0] : vector<16xf32>, vector<16xi32> -> vector<16xf32>
      %add3A_199 = arith.addf %add3A_139, %gather3A_198 : vector<16xf32>
      %get3A_200 = arith.index_cast %add3A_97 : i32 to index
      %get3A_201 = arith.constant 112 : index
      %get3A_202 = tpu.vector_load %arg5[%get3A_200, %get3A_201] {strides = array<i32>} : memref<200x128xi32, #tpu.memory_space<vmem>>, vector<1x16xi32>,
      %get3A_203 = vector.shape_cast %get3A_202 : vector<1x16xi32> to vector<16xi32>
      %lt3A_204 = arith.constant 0 : i32
      %lt3A_205 = vector.broadcast %lt3A_204 : i32 to vector<16xi32>
      %lt3A_206 = arith.cmpi slt, %get3A_203, %lt3A_205 : vector<16xi32>
      %add3A_207 = arith.constant 16 : i32
      %add3A_208 = vector.broadcast %add3A_207 : i32 to vector<16xi32>
      %add3A_209 = arith.addi %get3A_203, %add3A_208 : vector<16xi32>
      %select_n3A_210 = arith.select %lt3A_206, %add3A_209, %get3A_203 : vector<16xi1>, vector<16xi32>
      %broadcast_in_dim3A_211 = vector.shape_cast %select_n3A_210 : vector<16xi32> to vector<16x1xi32>
      %gather3A_212 = vector.shape_cast %broadcast_in_dim3A_211 : vector<16x1xi32> to vector<16xi32>
      %gather3A_213 = tpu.dynamic_gather %add3A_32[%gather3A_212] in [0] : vector<16xf32>, vector<16xi32> -> vector<16xf32>
      %add3A_214 = arith.addf %add3A_154, %gather3A_213 : vector<16xf32>
      %mul3A_215 = arith.constant 2 : i32
      %mul3A_216 = arith.muli %scan3A_89, %mul3A_215 : i32
      %add3A_217 = arith.constant 1 : i32
      %add3A_218 = arith.addi %mul3A_216, %add3A_217 : i32
      %get3A_219 = arith.index_cast %add3A_218 : i32 to index
      %get3A_220 = arith.constant 0 : index
      %get3A_221 = tpu.vector_load %arg5[%get3A_219, %get3A_220] {strides = array<i32>} : memref<200x128xi32, #tpu.memory_space<vmem>>, vector<1x16xi32>,
      %get3A_222 = vector.shape_cast %get3A_221 : vector<1x16xi32> to vector<16xi32>
      %lt3A_223 = arith.constant 0 : i32
      %lt3A_224 = vector.broadcast %lt3A_223 : i32 to vector<16xi32>
      %lt3A_225 = arith.cmpi slt, %get3A_222, %lt3A_224 : vector<16xi32>
      %add3A_226 = arith.constant 16 : i32
      %add3A_227 = vector.broadcast %add3A_226 : i32 to vector<16xi32>
      %add3A_228 = arith.addi %get3A_222, %add3A_227 : vector<16xi32>
      %select_n3A_229 = arith.select %lt3A_225, %add3A_228, %get3A_222 : vector<16xi1>, vector<16xi32>
      %broadcast_in_dim3A_230 = vector.shape_cast %select_n3A_229 : vector<16xi32> to vector<16x1xi32>
      %gather3A_231 = vector.shape_cast %broadcast_in_dim3A_230 : vector<16x1xi32> to vector<16xi32>
      %gather3A_232 = tpu.dynamic_gather %add3A_32[%gather3A_231] in [0] : vector<16xf32>, vector<16xi32> -> vector<16xf32>
      %add3A_233 = arith.addf %add3A_169, %gather3A_232 : vector<16xf32>
      %get3A_234 = arith.index_cast %add3A_218 : i32 to index
      %get3A_235 = arith.constant 16 : index
      %get3A_236 = tpu.vector_load %arg5[%get3A_234, %get3A_235] {strides = array<i32>} : memref<200x128xi32, #tpu.memory_space<vmem>>, vector<1x16xi32>,
      %get3A_237 = vector.shape_cast %get3A_236 : vector<1x16xi32> to vector<16xi32>
      %lt3A_238 = arith.constant 0 : i32
      %lt3A_239 = vector.broadcast %lt3A_238 : i32 to vector<16xi32>
      %lt3A_240 = arith.cmpi slt, %get3A_237, %lt3A_239 : vector<16xi32>
      %add3A_241 = arith.constant 16 : i32
      %add3A_242 = vector.broadcast %add3A_241 : i32 to vector<16xi32>
      %add3A_243 = arith.addi %get3A_237, %add3A_242 : vector<16xi32>
      %select_n3A_244 = arith.select %lt3A_240, %add3A_243, %get3A_237 : vector<16xi1>, vector<16xi32>
      %broadcast_in_dim3A_245 = vector.shape_cast %select_n3A_244 : vector<16xi32> to vector<16x1xi32>
      %gather3A_246 = vector.shape_cast %broadcast_in_dim3A_245 : vector<16x1xi32> to vector<16xi32>
      %gather3A_247 = tpu.dynamic_gather %add3A_32[%gather3A_246] in [0] : vector<16xf32>, vector<16xi32> -> vector<16xf32>
      %add3A_248 = arith.addf %add3A_184, %gather3A_247 : vector<16xf32>
      %get3A_249 = arith.index_cast %add3A_218 : i32 to index
      %get3A_250 = arith.constant 32 : index
      %get3A_251 = tpu.vector_load %arg5[%get3A_249, %get3A_250] {strides = array<i32>} : memref<200x128xi32, #tpu.memory_space<vmem>>, vector<1x16xi32>,
      %get3A_252 = vector.shape_cast %get3A_251 : vector<1x16xi32> to vector<16xi32>
      %lt3A_253 = arith.constant 0 : i32
      %lt3A_254 = vector.broadcast %lt3A_253 : i32 to vector<16xi32>
      %lt3A_255 = arith.cmpi slt, %get3A_252, %lt3A_254 : vector<16xi32>
      %add3A_256 = arith.constant 16 : i32
      %add3A_257 = vector.broadcast %add3A_256 : i32 to vector<16xi32>
      %add3A_258 = arith.addi %get3A_252, %add3A_257 : vector<16xi32>
      %select_n3A_259 = arith.select %lt3A_255, %add3A_258, %get3A_252 : vector<16xi1>, vector<16xi32>
      %broadcast_in_dim3A_260 = vector.shape_cast %select_n3A_259 : vector<16xi32> to vector<16x1xi32>
      %gather3A_261 = vector.shape_cast %broadcast_in_dim3A_260 : vector<16x1xi32> to vector<16xi32>
      %gather3A_262 = tpu.dynamic_gather %add3A_32[%gather3A_261] in [0] : vector<16xf32>, vector<16xi32> -> vector<16xf32>
      %add3A_263 = arith.addf %add3A_199, %gather3A_262 : vector<16xf32>
      %get3A_264 = arith.index_cast %add3A_218 : i32 to index
      %get3A_265 = arith.constant 48 : index
      %get3A_266 = tpu.vector_load %arg5[%get3A_264, %get3A_265] {strides = array<i32>} : memref<200x128xi32, #tpu.memory_space<vmem>>, vector<1x16xi32>,
      %get3A_267 = vector.shape_cast %get3A_266 : vector<1x16xi32> to vector<16xi32>
      %lt3A_268 = arith.constant 0 : i32
      %lt3A_269 = vector.broadcast %lt3A_268 : i32 to vector<16xi32>
      %lt3A_270 = arith.cmpi slt, %get3A_267, %lt3A_269 : vector<16xi32>
      %add3A_271 = arith.constant 16 : i32
      %add3A_272 = vector.broadcast %add3A_271 : i32 to vector<16xi32>
      %add3A_273 = arith.addi %get3A_267, %add3A_272 : vector<16xi32>
      %select_n3A_274 = arith.select %lt3A_270, %add3A_273, %get3A_267 : vector<16xi1>, vector<16xi32>
      %broadcast_in_dim3A_275 = vector.shape_cast %select_n3A_274 : vector<16xi32> to vector<16x1xi32>
      %gather3A_276 = vector.shape_cast %broadcast_in_dim3A_275 : vector<16x1xi32> to vector<16xi32>
      %gather3A_277 = tpu.dynamic_gather %add3A_32[%gather3A_276] in [0] : vector<16xf32>, vector<16xi32> -> vector<16xf32>
      %add3A_278 = arith.addf %add3A_214, %gather3A_277 : vector<16xf32>
      %get3A_279 = arith.index_cast %add3A_218 : i32 to index
      %get3A_280 = arith.constant 64 : index
      %get3A_281 = tpu.vector_load %arg5[%get3A_279, %get3A_280] {strides = array<i32>} : memref<200x128xi32, #tpu.memory_space<vmem>>, vector<1x16xi32>,
      %get3A_282 = vector.shape_cast %get3A_281 : vector<1x16xi32> to vector<16xi32>
      %lt3A_283 = arith.constant 0 : i32
      %lt3A_284 = vector.broadcast %lt3A_283 : i32 to vector<16xi32>
      %lt3A_285 = arith.cmpi slt, %get3A_282, %lt3A_284 : vector<16xi32>
      %add3A_286 = arith.constant 16 : i32
      %add3A_287 = vector.broadcast %add3A_286 : i32 to vector<16xi32>
      %add3A_288 = arith.addi %get3A_282, %add3A_287 : vector<16xi32>
      %select_n3A_289 = arith.select %lt3A_285, %add3A_288, %get3A_282 : vector<16xi1>, vector<16xi32>
      %broadcast_in_dim3A_290 = vector.shape_cast %select_n3A_289 : vector<16xi32> to vector<16x1xi32>
      %gather3A_291 = vector.shape_cast %broadcast_in_dim3A_290 : vector<16x1xi32> to vector<16xi32>
      %gather3A_292 = tpu.dynamic_gather %add3A_32[%gather3A_291] in [0] : vector<16xf32>, vector<16xi32> -> vector<16xf32>
      %add3A_293 = arith.addf %add3A_233, %gather3A_292 : vector<16xf32>
      %get3A_294 = arith.index_cast %add3A_218 : i32 to index
      %get3A_295 = arith.constant 80 : index
      %get3A_296 = tpu.vector_load %arg5[%get3A_294, %get3A_295] {strides = array<i32>} : memref<200x128xi32, #tpu.memory_space<vmem>>, vector<1x16xi32>,
      %get3A_297 = vector.shape_cast %get3A_296 : vector<1x16xi32> to vector<16xi32>
      %lt3A_298 = arith.constant 0 : i32
      %lt3A_299 = vector.broadcast %lt3A_298 : i32 to vector<16xi32>
      %lt3A_300 = arith.cmpi slt, %get3A_297, %lt3A_299 : vector<16xi32>
      %add3A_301 = arith.constant 16 : i32
      %add3A_302 = vector.broadcast %add3A_301 : i32 to vector<16xi32>
      %add3A_303 = arith.addi %get3A_297, %add3A_302 : vector<16xi32>
      %select_n3A_304 = arith.select %lt3A_300, %add3A_303, %get3A_297 : vector<16xi1>, vector<16xi32>
      %broadcast_in_dim3A_305 = vector.shape_cast %select_n3A_304 : vector<16xi32> to vector<16x1xi32>
      %gather3A_306 = vector.shape_cast %broadcast_in_dim3A_305 : vector<16x1xi32> to vector<16xi32>
      %gather3A_307 = tpu.dynamic_gather %add3A_32[%gather3A_306] in [0] : vector<16xf32>, vector<16xi32> -> vector<16xf32>
      %add3A_308 = arith.addf %add3A_248, %gather3A_307 : vector<16xf32>
      %get3A_309 = arith.index_cast %add3A_218 : i32 to index
      %get3A_310 = arith.constant 96 : index
      %get3A_311 = tpu.vector_load %arg5[%get3A_309, %get3A_310] {strides = array<i32>} : memref<200x128xi32, #tpu.memory_space<vmem>>, vector<1x16xi32>,
      %get3A_312 = vector.shape_cast %get3A_311 : vector<1x16xi32> to vector<16xi32>
      %lt3A_313 = arith.constant 0 : i32
      %lt3A_314 = vector.broadcast %lt3A_313 : i32 to vector<16xi32>
      %lt3A_315 = arith.cmpi slt, %get3A_312, %lt3A_314 : vector<16xi32>
      %add3A_316 = arith.constant 16 : i32
      %add3A_317 = vector.broadcast %add3A_316 : i32 to vector<16xi32>
      %add3A_318 = arith.addi %get3A_312, %add3A_317 : vector<16xi32>
      %select_n3A_319 = arith.select %lt3A_315, %add3A_318, %get3A_312 : vector<16xi1>, vector<16xi32>
      %broadcast_in_dim3A_320 = vector.shape_cast %select_n3A_319 : vector<16xi32> to vector<16x1xi32>
      %gather3A_321 = vector.shape_cast %broadcast_in_dim3A_320 : vector<16x1xi32> to vector<16xi32>
      %gather3A_322 = tpu.dynamic_gather %add3A_32[%gather3A_321] in [0] : vector<16xf32>, vector<16xi32> -> vector<16xf32>
      %add3A_323 = arith.addf %add3A_263, %gather3A_322 : vector<16xf32>
      %get3A_324 = arith.index_cast %add3A_218 : i32 to index
      %get3A_325 = arith.constant 112 : index
      %get3A_326 = tpu.vector_load %arg5[%get3A_324, %get3A_325] {strides = array<i32>} : memref<200x128xi32, #tpu.memory_space<vmem>>, vector<1x16xi32>,
      %get3A_327 = vector.shape_cast %get3A_326 : vector<1x16xi32> to vector<16xi32>
      %lt3A_328 = arith.constant 0 : i32
      %lt3A_329 = vector.broadcast %lt3A_328 : i32 to vector<16xi32>
      %lt3A_330 = arith.cmpi slt, %get3A_327, %lt3A_329 : vector<16xi32>
      %add3A_331 = arith.constant 16 : i32
      %add3A_332 = vector.broadcast %add3A_331 : i32 to vector<16xi32>
      %add3A_333 = arith.addi %get3A_327, %add3A_332 : vector<16xi32>
      %select_n3A_334 = arith.select %lt3A_330, %add3A_333, %get3A_327 : vector<16xi1>, vector<16xi32>
      %broadcast_in_dim3A_335 = vector.shape_cast %select_n3A_334 : vector<16xi32> to vector<16x1xi32>
      %gather3A_336 = vector.shape_cast %broadcast_in_dim3A_335 : vector<16x1xi32> to vector<16xi32>
      %gather3A_337 = tpu.dynamic_gather %add3A_32[%gather3A_336] in [0] : vector<16xf32>, vector<16xi32> -> vector<16xf32>
      %add3A_338 = arith.addf %add3A_278, %gather3A_337 : vector<16xf32>
      scf.yield %add3A_293, %add3A_308, %add3A_323, %add3A_338 : vector<16xf32>, vector<16xf32>, vector<16xf32>, vector<16xf32>
    }
    %scan3A_40 = arith.constant 100 : i32
    %add3A_41 = arith.constant 256 : i32
    %add3A_42 = arith.addi %mul3A_2, %add3A_41 : i32
    %dma_start3A_43 = arith.constant 0 : i32
    %dma_start3A_44 = tpu.memref_slice %arg2[%dma_start3A_43, %add3A_42] : memref<200x16384xi32, #tpu.memory_space<hbm>> -> memref<200x128xi32, #tpu.memory_space<hbm>>
    %dma_start3A_45 = arith.constant 0 : i32
    %dma_start3A_46 = tpu.memref_slice %arg2[%dma_start3A_45, %add3A_42] : memref<200x16384xi32, #tpu.memory_space<hbm>> -> memref<200x128xi32, #tpu.memory_space<hbm>>
    tpu.enqueue_dma source(%dma_start3A_46 : memref<200x128xi32, #tpu.memory_space<hbm>>) target(%arg5 : memref<200x128xi32, #tpu.memory_space<vmem>>) target_semaphore(%arg9 : memref<!tpu.dma_semaphore, #tpu.memory_space<semaphore_mem>>)
    %dma_wait3A_47 = arith.constant 0 : i32
    %dma_wait3A_48 = tpu.memref_slice %arg2[%dma_wait3A_47, %add3A_9] : memref<200x16384xi32, #tpu.memory_space<hbm>> -> memref<200x128xi32, #tpu.memory_space<hbm>>
    %dma_wait3A_49 = arith.constant 0 : i32
    %dma_wait3A_50 = tpu.memref_slice %arg2[%dma_wait3A_49, %add3A_9] : memref<200x16384xi32, #tpu.memory_space<hbm>> -> memref<200x128xi32, #tpu.memory_space<hbm>>
    tpu.wait_dma2 semaphore(%arg10 : memref<!tpu.dma_semaphore, #tpu.memory_space<semaphore_mem>>) src(%dma_wait3A_50 : memref<200x128xi32, #tpu.memory_space<hbm>>) dst(%arg6 : memref<200x128xi32, #tpu.memory_space<vmem>>)
    %scan3A_51 = arith.constant 0 : i32
    %scan3A_52 = arith.constant 100 : i32
    %scan3A_53 = arith.addi %scan3A_51, %scan3A_52 : i32
    %scan3A_54 = arith.constant 1 : i32
    %scan3A_55:4 = scf.for %scan3A_89 = %scan3A_51 to %scan3A_53 step %scan3A_54 iter_args(%scan3A_90 = %scan3A_39#0, %scan3A_91 = %scan3A_39#1, %scan3A_92 = %scan3A_39#2, %scan3A_93 = %scan3A_39#3) -> (vector<16xf32>, vector<16xf32>, vector<16xf32>, vector<16xf32>)  : i32 {
      %mul3A_94 = arith.constant 2 : i32
      %mul3A_95 = arith.muli %scan3A_89, %mul3A_94 : i32
      %add3A_96 = arith.constant 0 : i32
      %add3A_97 = arith.addi %mul3A_95, %add3A_96 : i32
      %get3A_98 = arith.index_cast %add3A_97 : i32 to index
      %get3A_99 = arith.constant 0 : index
      %get3A_100 = tpu.vector_load %arg6[%get3A_98, %get3A_99] {strides = array<i32>} : memref<200x128xi32, #tpu.memory_space<vmem>>, vector<1x16xi32>,
      %get3A_101 = vector.shape_cast %get3A_100 : vector<1x16xi32> to vector<16xi32>
      %lt3A = arith.constant 0 : i32
      %lt3A_102 = vector.broadcast %lt3A : i32 to vector<16xi32>
      %lt3A_103 = arith.cmpi slt, %get3A_101, %lt3A_102 : vector<16xi32>
      %add3A_104 = arith.constant 16 : i32
      %add3A_105 = vector.broadcast %add3A_104 : i32 to vector<16xi32>
      %add3A_106 = arith.addi %get3A_101, %add3A_105 : vector<16xi32>
      %select_n3A = arith.select %lt3A_103, %add3A_106, %get3A_101 : vector<16xi1>, vector<16xi32>
      %broadcast_in_dim3A_107 = vector.shape_cast %select_n3A : vector<16xi32> to vector<16x1xi32>
      %gather3A = vector.shape_cast %broadcast_in_dim3A_107 : vector<16x1xi32> to vector<16xi32>
      %gather3A_108 = tpu.dynamic_gather %add3A_32[%gather3A] in [0] : vector<16xf32>, vector<16xi32> -> vector<16xf32>
      %add3A_109 = arith.addf %scan3A_90, %gather3A_108 : vector<16xf32>
      %get3A_110 = arith.index_cast %add3A_97 : i32 to index
      %get3A_111 = arith.constant 16 : index
      %get3A_112 = tpu.vector_load %arg6[%get3A_110, %get3A_111] {strides = array<i32>} : memref<200x128xi32, #tpu.memory_space<vmem>>, vector<1x16xi32>,
      %get3A_113 = vector.shape_cast %get3A_112 : vector<1x16xi32> to vector<16xi32>
      %lt3A_114 = arith.constant 0 : i32
      %lt3A_115 = vector.broadcast %lt3A_114 : i32 to vector<16xi32>
      %lt3A_116 = arith.cmpi slt, %get3A_113, %lt3A_115 : vector<16xi32>
      %add3A_117 = arith.constant 16 : i32
      %add3A_118 = vector.broadcast %add3A_117 : i32 to vector<16xi32>
      %add3A_119 = arith.addi %get3A_113, %add3A_118 : vector<16xi32>
      %select_n3A_120 = arith.select %lt3A_116, %add3A_119, %get3A_113 : vector<16xi1>, vector<16xi32>
      %broadcast_in_dim3A_121 = vector.shape_cast %select_n3A_120 : vector<16xi32> to vector<16x1xi32>
      %gather3A_122 = vector.shape_cast %broadcast_in_dim3A_121 : vector<16x1xi32> to vector<16xi32>
      %gather3A_123 = tpu.dynamic_gather %add3A_32[%gather3A_122] in [0] : vector<16xf32>, vector<16xi32> -> vector<16xf32>
      %add3A_124 = arith.addf %scan3A_91, %gather3A_123 : vector<16xf32>
      %get3A_125 = arith.index_cast %add3A_97 : i32 to index
      %get3A_126 = arith.constant 32 : index
      %get3A_127 = tpu.vector_load %arg6[%get3A_125, %get3A_126] {strides = array<i32>} : memref<200x128xi32, #tpu.memory_space<vmem>>, vector<1x16xi32>,
      %get3A_128 = vector.shape_cast %get3A_127 : vector<1x16xi32> to vector<16xi32>
      %lt3A_129 = arith.constant 0 : i32
      %lt3A_130 = vector.broadcast %lt3A_129 : i32 to vector<16xi32>
      %lt3A_131 = arith.cmpi slt, %get3A_128, %lt3A_130 : vector<16xi32>
      %add3A_132 = arith.constant 16 : i32
      %add3A_133 = vector.broadcast %add3A_132 : i32 to vector<16xi32>
      %add3A_134 = arith.addi %get3A_128, %add3A_133 : vector<16xi32>
      %select_n3A_135 = arith.select %lt3A_131, %add3A_134, %get3A_128 : vector<16xi1>, vector<16xi32>
      %broadcast_in_dim3A_136 = vector.shape_cast %select_n3A_135 : vector<16xi32> to vector<16x1xi32>
      %gather3A_137 = vector.shape_cast %broadcast_in_dim3A_136 : vector<16x1xi32> to vector<16xi32>
      %gather3A_138 = tpu.dynamic_gather %add3A_32[%gather3A_137] in [0] : vector<16xf32>, vector<16xi32> -> vector<16xf32>
      %add3A_139 = arith.addf %scan3A_92, %gather3A_138 : vector<16xf32>
      %get3A_140 = arith.index_cast %add3A_97 : i32 to index
      %get3A_141 = arith.constant 48 : index
      %get3A_142 = tpu.vector_load %arg6[%get3A_140, %get3A_141] {strides = array<i32>} : memref<200x128xi32, #tpu.memory_space<vmem>>, vector<1x16xi32>,
      %get3A_143 = vector.shape_cast %get3A_142 : vector<1x16xi32> to vector<16xi32>
      %lt3A_144 = arith.constant 0 : i32
      %lt3A_145 = vector.broadcast %lt3A_144 : i32 to vector<16xi32>
      %lt3A_146 = arith.cmpi slt, %get3A_143, %lt3A_145 : vector<16xi32>
      %add3A_147 = arith.constant 16 : i32
      %add3A_148 = vector.broadcast %add3A_147 : i32 to vector<16xi32>
      %add3A_149 = arith.addi %get3A_143, %add3A_148 : vector<16xi32>
      %select_n3A_150 = arith.select %lt3A_146, %add3A_149, %get3A_143 : vector<16xi1>, vector<16xi32>
      %broadcast_in_dim3A_151 = vector.shape_cast %select_n3A_150 : vector<16xi32> to vector<16x1xi32>
      %gather3A_152 = vector.shape_cast %broadcast_in_dim3A_151 : vector<16x1xi32> to vector<16xi32>
      %gather3A_153 = tpu.dynamic_gather %add3A_32[%gather3A_152] in [0] : vector<16xf32>, vector<16xi32> -> vector<16xf32>
      %add3A_154 = arith.addf %scan3A_93, %gather3A_153 : vector<16xf32>
      %get3A_155 = arith.index_cast %add3A_97 : i32 to index
      %get3A_156 = arith.constant 64 : index
      %get3A_157 = tpu.vector_load %arg6[%get3A_155, %get3A_156] {strides = array<i32>} : memref<200x128xi32, #tpu.memory_space<vmem>>, vector<1x16xi32>,
      %get3A_158 = vector.shape_cast %get3A_157 : vector<1x16xi32> to vector<16xi32>
      %lt3A_159 = arith.constant 0 : i32
      %lt3A_160 = vector.broadcast %lt3A_159 : i32 to vector<16xi32>
      %lt3A_161 = arith.cmpi slt, %get3A_158, %lt3A_160 : vector<16xi32>
      %add3A_162 = arith.constant 16 : i32
      %add3A_163 = vector.broadcast %add3A_162 : i32 to vector<16xi32>
      %add3A_164 = arith.addi %get3A_158, %add3A_163 : vector<16xi32>
      %select_n3A_165 = arith.select %lt3A_161, %add3A_164, %get3A_158 : vector<16xi1>, vector<16xi32>
      %broadcast_in_dim3A_166 = vector.shape_cast %select_n3A_165 : vector<16xi32> to vector<16x1xi32>
      %gather3A_167 = vector.shape_cast %broadcast_in_dim3A_166 : vector<16x1xi32> to vector<16xi32>
      %gather3A_168 = tpu.dynamic_gather %add3A_32[%gather3A_167] in [0] : vector<16xf32>, vector<16xi32> -> vector<16xf32>
      %add3A_169 = arith.addf %add3A_109, %gather3A_168 : vector<16xf32>
      %get3A_170 = arith.index_cast %add3A_97 : i32 to index
      %get3A_171 = arith.constant 80 : index
      %get3A_172 = tpu.vector_load %arg6[%get3A_170, %get3A_171] {strides = array<i32>} : memref<200x128xi32, #tpu.memory_space<vmem>>, vector<1x16xi32>,
      %get3A_173 = vector.shape_cast %get3A_172 : vector<1x16xi32> to vector<16xi32>
      %lt3A_174 = arith.constant 0 : i32
      %lt3A_175 = vector.broadcast %lt3A_174 : i32 to vector<16xi32>
      %lt3A_176 = arith.cmpi slt, %get3A_173, %lt3A_175 : vector<16xi32>
      %add3A_177 = arith.constant 16 : i32
      %add3A_178 = vector.broadcast %add3A_177 : i32 to vector<16xi32>
      %add3A_179 = arith.addi %get3A_173, %add3A_178 : vector<16xi32>
      %select_n3A_180 = arith.select %lt3A_176, %add3A_179, %get3A_173 : vector<16xi1>, vector<16xi32>
      %broadcast_in_dim3A_181 = vector.shape_cast %select_n3A_180 : vector<16xi32> to vector<16x1xi32>
      %gather3A_182 = vector.shape_cast %broadcast_in_dim3A_181 : vector<16x1xi32> to vector<16xi32>
      %gather3A_183 = tpu.dynamic_gather %add3A_32[%gather3A_182] in [0] : vector<16xf32>, vector<16xi32> -> vector<16xf32>
      %add3A_184 = arith.addf %add3A_124, %gather3A_183 : vector<16xf32>
      %get3A_185 = arith.index_cast %add3A_97 : i32 to index
      %get3A_186 = arith.constant 96 : index
      %get3A_187 = tpu.vector_load %arg6[%get3A_185, %get3A_186] {strides = array<i32>} : memref<200x128xi32, #tpu.memory_space<vmem>>, vector<1x16xi32>,
      %get3A_188 = vector.shape_cast %get3A_187 : vector<1x16xi32> to vector<16xi32>
      %lt3A_189 = arith.constant 0 : i32
      %lt3A_190 = vector.broadcast %lt3A_189 : i32 to vector<16xi32>
      %lt3A_191 = arith.cmpi slt, %get3A_188, %lt3A_190 : vector<16xi32>
      %add3A_192 = arith.constant 16 : i32
      %add3A_193 = vector.broadcast %add3A_192 : i32 to vector<16xi32>
      %add3A_194 = arith.addi %get3A_188, %add3A_193 : vector<16xi32>
      %select_n3A_195 = arith.select %lt3A_191, %add3A_194, %get3A_188 : vector<16xi1>, vector<16xi32>
      %broadcast_in_dim3A_196 = vector.shape_cast %select_n3A_195 : vector<16xi32> to vector<16x1xi32>
      %gather3A_197 = vector.shape_cast %broadcast_in_dim3A_196 : vector<16x1xi32> to vector<16xi32>
      %gather3A_198 = tpu.dynamic_gather %add3A_32[%gather3A_197] in [0] : vector<16xf32>, vector<16xi32> -> vector<16xf32>
      %add3A_199 = arith.addf %add3A_139, %gather3A_198 : vector<16xf32>
      %get3A_200 = arith.index_cast %add3A_97 : i32 to index
      %get3A_201 = arith.constant 112 : index
      %get3A_202 = tpu.vector_load %arg6[%get3A_200, %get3A_201] {strides = array<i32>} : memref<200x128xi32, #tpu.memory_space<vmem>>, vector<1x16xi32>,
      %get3A_203 = vector.shape_cast %get3A_202 : vector<1x16xi32> to vector<16xi32>
      %lt3A_204 = arith.constant 0 : i32
      %lt3A_205 = vector.broadcast %lt3A_204 : i32 to vector<16xi32>
      %lt3A_206 = arith.cmpi slt, %get3A_203, %lt3A_205 : vector<16xi32>
      %add3A_207 = arith.constant 16 : i32
      %add3A_208 = vector.broadcast %add3A_207 : i32 to vector<16xi32>
      %add3A_209 = arith.addi %get3A_203, %add3A_208 : vector<16xi32>
      %select_n3A_210 = arith.select %lt3A_206, %add3A_209, %get3A_203 : vector<16xi1>, vector<16xi32>
      %broadcast_in_dim3A_211 = vector.shape_cast %select_n3A_210 : vector<16xi32> to vector<16x1xi32>
      %gather3A_212 = vector.shape_cast %broadcast_in_dim3A_211 : vector<16x1xi32> to vector<16xi32>
      %gather3A_213 = tpu.dynamic_gather %add3A_32[%gather3A_212] in [0] : vector<16xf32>, vector<16xi32> -> vector<16xf32>
      %add3A_214 = arith.addf %add3A_154, %gather3A_213 : vector<16xf32>
      %mul3A_215 = arith.constant 2 : i32
      %mul3A_216 = arith.muli %scan3A_89, %mul3A_215 : i32
      %add3A_217 = arith.constant 1 : i32
      %add3A_218 = arith.addi %mul3A_216, %add3A_217 : i32
      %get3A_219 = arith.index_cast %add3A_218 : i32 to index
      %get3A_220 = arith.constant 0 : index
      %get3A_221 = tpu.vector_load %arg6[%get3A_219, %get3A_220] {strides = array<i32>} : memref<200x128xi32, #tpu.memory_space<vmem>>, vector<1x16xi32>,
      %get3A_222 = vector.shape_cast %get3A_221 : vector<1x16xi32> to vector<16xi32>
      %lt3A_223 = arith.constant 0 : i32
      %lt3A_224 = vector.broadcast %lt3A_223 : i32 to vector<16xi32>
      %lt3A_225 = arith.cmpi slt, %get3A_222, %lt3A_224 : vector<16xi32>
      %add3A_226 = arith.constant 16 : i32
      %add3A_227 = vector.broadcast %add3A_226 : i32 to vector<16xi32>
      %add3A_228 = arith.addi %get3A_222, %add3A_227 : vector<16xi32>
      %select_n3A_229 = arith.select %lt3A_225, %add3A_228, %get3A_222 : vector<16xi1>, vector<16xi32>
      %broadcast_in_dim3A_230 = vector.shape_cast %select_n3A_229 : vector<16xi32> to vector<16x1xi32>
      %gather3A_231 = vector.shape_cast %broadcast_in_dim3A_230 : vector<16x1xi32> to vector<16xi32>
      %gather3A_232 = tpu.dynamic_gather %add3A_32[%gather3A_231] in [0] : vector<16xf32>, vector<16xi32> -> vector<16xf32>
      %add3A_233 = arith.addf %add3A_169, %gather3A_232 : vector<16xf32>
      %get3A_234 = arith.index_cast %add3A_218 : i32 to index
      %get3A_235 = arith.constant 16 : index
      %get3A_236 = tpu.vector_load %arg6[%get3A_234, %get3A_235] {strides = array<i32>} : memref<200x128xi32, #tpu.memory_space<vmem>>, vector<1x16xi32>,
      %get3A_237 = vector.shape_cast %get3A_236 : vector<1x16xi32> to vector<16xi32>
      %lt3A_238 = arith.constant 0 : i32
      %lt3A_239 = vector.broadcast %lt3A_238 : i32 to vector<16xi32>
      %lt3A_240 = arith.cmpi slt, %get3A_237, %lt3A_239 : vector<16xi32>
      %add3A_241 = arith.constant 16 : i32
      %add3A_242 = vector.broadcast %add3A_241 : i32 to vector<16xi32>
      %add3A_243 = arith.addi %get3A_237, %add3A_242 : vector<16xi32>
      %select_n3A_244 = arith.select %lt3A_240, %add3A_243, %get3A_237 : vector<16xi1>, vector<16xi32>
      %broadcast_in_dim3A_245 = vector.shape_cast %select_n3A_244 : vector<16xi32> to vector<16x1xi32>
      %gather3A_246 = vector.shape_cast %broadcast_in_dim3A_245 : vector<16x1xi32> to vector<16xi32>
      %gather3A_247 = tpu.dynamic_gather %add3A_32[%gather3A_246] in [0] : vector<16xf32>, vector<16xi32> -> vector<16xf32>
      %add3A_248 = arith.addf %add3A_184, %gather3A_247 : vector<16xf32>
      %get3A_249 = arith.index_cast %add3A_218 : i32 to index
      %get3A_250 = arith.constant 32 : index
      %get3A_251 = tpu.vector_load %arg6[%get3A_249, %get3A_250] {strides = array<i32>} : memref<200x128xi32, #tpu.memory_space<vmem>>, vector<1x16xi32>,
      %get3A_252 = vector.shape_cast %get3A_251 : vector<1x16xi32> to vector<16xi32>
      %lt3A_253 = arith.constant 0 : i32
      %lt3A_254 = vector.broadcast %lt3A_253 : i32 to vector<16xi32>
      %lt3A_255 = arith.cmpi slt, %get3A_252, %lt3A_254 : vector<16xi32>
      %add3A_256 = arith.constant 16 : i32
      %add3A_257 = vector.broadcast %add3A_256 : i32 to vector<16xi32>
      %add3A_258 = arith.addi %get3A_252, %add3A_257 : vector<16xi32>
      %select_n3A_259 = arith.select %lt3A_255, %add3A_258, %get3A_252 : vector<16xi1>, vector<16xi32>
      %broadcast_in_dim3A_260 = vector.shape_cast %select_n3A_259 : vector<16xi32> to vector<16x1xi32>
      %gather3A_261 = vector.shape_cast %broadcast_in_dim3A_260 : vector<16x1xi32> to vector<16xi32>
      %gather3A_262 = tpu.dynamic_gather %add3A_32[%gather3A_261] in [0] : vector<16xf32>, vector<16xi32> -> vector<16xf32>
      %add3A_263 = arith.addf %add3A_199, %gather3A_262 : vector<16xf32>
      %get3A_264 = arith.index_cast %add3A_218 : i32 to index
      %get3A_265 = arith.constant 48 : index
      %get3A_266 = tpu.vector_load %arg6[%get3A_264, %get3A_265] {strides = array<i32>} : memref<200x128xi32, #tpu.memory_space<vmem>>, vector<1x16xi32>,
      %get3A_267 = vector.shape_cast %get3A_266 : vector<1x16xi32> to vector<16xi32>
      %lt3A_268 = arith.constant 0 : i32
      %lt3A_269 = vector.broadcast %lt3A_268 : i32 to vector<16xi32>
      %lt3A_270 = arith.cmpi slt, %get3A_267, %lt3A_269 : vector<16xi32>
      %add3A_271 = arith.constant 16 : i32
      %add3A_272 = vector.broadcast %add3A_271 : i32 to vector<16xi32>
      %add3A_273 = arith.addi %get3A_267, %add3A_272 : vector<16xi32>
      %select_n3A_274 = arith.select %lt3A_270, %add3A_273, %get3A_267 : vector<16xi1>, vector<16xi32>
      %broadcast_in_dim3A_275 = vector.shape_cast %select_n3A_274 : vector<16xi32> to vector<16x1xi32>
      %gather3A_276 = vector.shape_cast %broadcast_in_dim3A_275 : vector<16x1xi32> to vector<16xi32>
      %gather3A_277 = tpu.dynamic_gather %add3A_32[%gather3A_276] in [0] : vector<16xf32>, vector<16xi32> -> vector<16xf32>
      %add3A_278 = arith.addf %add3A_214, %gather3A_277 : vector<16xf32>
      %get3A_279 = arith.index_cast %add3A_218 : i32 to index
      %get3A_280 = arith.constant 64 : index
      %get3A_281 = tpu.vector_load %arg6[%get3A_279, %get3A_280] {strides = array<i32>} : memref<200x128xi32, #tpu.memory_space<vmem>>, vector<1x16xi32>,
      %get3A_282 = vector.shape_cast %get3A_281 : vector<1x16xi32> to vector<16xi32>
      %lt3A_283 = arith.constant 0 : i32
      %lt3A_284 = vector.broadcast %lt3A_283 : i32 to vector<16xi32>
      %lt3A_285 = arith.cmpi slt, %get3A_282, %lt3A_284 : vector<16xi32>
      %add3A_286 = arith.constant 16 : i32
      %add3A_287 = vector.broadcast %add3A_286 : i32 to vector<16xi32>
      %add3A_288 = arith.addi %get3A_282, %add3A_287 : vector<16xi32>
      %select_n3A_289 = arith.select %lt3A_285, %add3A_288, %get3A_282 : vector<16xi1>, vector<16xi32>
      %broadcast_in_dim3A_290 = vector.shape_cast %select_n3A_289 : vector<16xi32> to vector<16x1xi32>
      %gather3A_291 = vector.shape_cast %broadcast_in_dim3A_290 : vector<16x1xi32> to vector<16xi32>
      %gather3A_292 = tpu.dynamic_gather %add3A_32[%gather3A_291] in [0] : vector<16xf32>, vector<16xi32> -> vector<16xf32>
      %add3A_293 = arith.addf %add3A_233, %gather3A_292 : vector<16xf32>
      %get3A_294 = arith.index_cast %add3A_218 : i32 to index
      %get3A_295 = arith.constant 80 : index
      %get3A_296 = tpu.vector_load %arg6[%get3A_294, %get3A_295] {strides = array<i32>} : memref<200x128xi32, #tpu.memory_space<vmem>>, vector<1x16xi32>,
      %get3A_297 = vector.shape_cast %get3A_296 : vector<1x16xi32> to vector<16xi32>
      %lt3A_298 = arith.constant 0 : i32
      %lt3A_299 = vector.broadcast %lt3A_298 : i32 to vector<16xi32>
      %lt3A_300 = arith.cmpi slt, %get3A_297, %lt3A_299 : vector<16xi32>
      %add3A_301 = arith.constant 16 : i32
      %add3A_302 = vector.broadcast %add3A_301 : i32 to vector<16xi32>
      %add3A_303 = arith.addi %get3A_297, %add3A_302 : vector<16xi32>
      %select_n3A_304 = arith.select %lt3A_300, %add3A_303, %get3A_297 : vector<16xi1>, vector<16xi32>
      %broadcast_in_dim3A_305 = vector.shape_cast %select_n3A_304 : vector<16xi32> to vector<16x1xi32>
      %gather3A_306 = vector.shape_cast %broadcast_in_dim3A_305 : vector<16x1xi32> to vector<16xi32>
      %gather3A_307 = tpu.dynamic_gather %add3A_32[%gather3A_306] in [0] : vector<16xf32>, vector<16xi32> -> vector<16xf32>
      %add3A_308 = arith.addf %add3A_248, %gather3A_307 : vector<16xf32>
      %get3A_309 = arith.index_cast %add3A_218 : i32 to index
      %get3A_310 = arith.constant 96 : index
      %get3A_311 = tpu.vector_load %arg6[%get3A_309, %get3A_310] {strides = array<i32>} : memref<200x128xi32, #tpu.memory_space<vmem>>, vector<1x16xi32>,
      %get3A_312 = vector.shape_cast %get3A_311 : vector<1x16xi32> to vector<16xi32>
      %lt3A_313 = arith.constant 0 : i32
      %lt3A_314 = vector.broadcast %lt3A_313 : i32 to vector<16xi32>
      %lt3A_315 = arith.cmpi slt, %get3A_312, %lt3A_314 : vector<16xi32>
      %add3A_316 = arith.constant 16 : i32
      %add3A_317 = vector.broadcast %add3A_316 : i32 to vector<16xi32>
      %add3A_318 = arith.addi %get3A_312, %add3A_317 : vector<16xi32>
      %select_n3A_319 = arith.select %lt3A_315, %add3A_318, %get3A_312 : vector<16xi1>, vector<16xi32>
      %broadcast_in_dim3A_320 = vector.shape_cast %select_n3A_319 : vector<16xi32> to vector<16x1xi32>
      %gather3A_321 = vector.shape_cast %broadcast_in_dim3A_320 : vector<16x1xi32> to vector<16xi32>
      %gather3A_322 = tpu.dynamic_gather %add3A_32[%gather3A_321] in [0] : vector<16xf32>, vector<16xi32> -> vector<16xf32>
      %add3A_323 = arith.addf %add3A_263, %gather3A_322 : vector<16xf32>
      %get3A_324 = arith.index_cast %add3A_218 : i32 to index
      %get3A_325 = arith.constant 112 : index
      %get3A_326 = tpu.vector_load %arg6[%get3A_324, %get3A_325] {strides = array<i32>} : memref<200x128xi32, #tpu.memory_space<vmem>>, vector<1x16xi32>,
      %get3A_327 = vector.shape_cast %get3A_326 : vector<1x16xi32> to vector<16xi32>
      %lt3A_328 = arith.constant 0 : i32
      %lt3A_329 = vector.broadcast %lt3A_328 : i32 to vector<16xi32>
      %lt3A_330 = arith.cmpi slt, %get3A_327, %lt3A_329 : vector<16xi32>
      %add3A_331 = arith.constant 16 : i32
      %add3A_332 = vector.broadcast %add3A_331 : i32 to vector<16xi32>
      %add3A_333 = arith.addi %get3A_327, %add3A_332 : vector<16xi32>
      %select_n3A_334 = arith.select %lt3A_330, %add3A_333, %get3A_327 : vector<16xi1>, vector<16xi32>
      %broadcast_in_dim3A_335 = vector.shape_cast %select_n3A_334 : vector<16xi32> to vector<16x1xi32>
      %gather3A_336 = vector.shape_cast %broadcast_in_dim3A_335 : vector<16x1xi32> to vector<16xi32>
      %gather3A_337 = tpu.dynamic_gather %add3A_32[%gather3A_336] in [0] : vector<16xf32>, vector<16xi32> -> vector<16xf32>
      %add3A_338 = arith.addf %add3A_278, %gather3A_337 : vector<16xf32>
      scf.yield %add3A_293, %add3A_308, %add3A_323, %add3A_338 : vector<16xf32>, vector<16xf32>, vector<16xf32>, vector<16xf32>
    }
    %scan3A_56 = arith.constant 100 : i32
    %add3A_57 = arith.constant 384 : i32
    %add3A_58 = arith.addi %mul3A_2, %add3A_57 : i32
    %dma_start3A_59 = arith.constant 0 : i32
    %dma_start3A_60 = tpu.memref_slice %arg2[%dma_start3A_59, %add3A_58] : memref<200x16384xi32, #tpu.memory_space<hbm>> -> memref<200x128xi32, #tpu.memory_space<hbm>>
    %dma_start3A_61 = arith.constant 0 : i32
    %dma_start3A_62 = tpu.memref_slice %arg2[%dma_start3A_61, %add3A_58] : memref<200x16384xi32, #tpu.memory_space<hbm>> -> memref<200x128xi32, #tpu.memory_space<hbm>>
    tpu.enqueue_dma source(%dma_start3A_62 : memref<200x128xi32, #tpu.memory_space<hbm>>) target(%arg6 : memref<200x128xi32, #tpu.memory_space<vmem>>) target_semaphore(%arg10 : memref<!tpu.dma_semaphore, #tpu.memory_space<semaphore_mem>>)
    %dma_wait3A_63 = arith.constant 0 : i32
    %dma_wait3A_64 = tpu.memref_slice %arg2[%dma_wait3A_63, %add3A_42] : memref<200x16384xi32, #tpu.memory_space<hbm>> -> memref<200x128xi32, #tpu.memory_space<hbm>>
    %dma_wait3A_65 = arith.constant 0 : i32
    %dma_wait3A_66 = tpu.memref_slice %arg2[%dma_wait3A_65, %add3A_42] : memref<200x16384xi32, #tpu.memory_space<hbm>> -> memref<200x128xi32, #tpu.memory_space<hbm>>
    tpu.wait_dma2 semaphore(%arg9 : memref<!tpu.dma_semaphore, #tpu.memory_space<semaphore_mem>>) src(%dma_wait3A_66 : memref<200x128xi32, #tpu.memory_space<hbm>>) dst(%arg5 : memref<200x128xi32, #tpu.memory_space<vmem>>)
    %scan3A_67 = arith.constant 0 : i32
    %scan3A_68 = arith.constant 100 : i32
    %scan3A_69 = arith.addi %scan3A_67, %scan3A_68 : i32
    %scan3A_70 = arith.constant 1 : i32
    %scan3A_71:4 = scf.for %scan3A_89 = %scan3A_67 to %scan3A_69 step %scan3A_70 iter_args(%scan3A_90 = %scan3A_55#0, %scan3A_91 = %scan3A_55#1, %scan3A_92 = %scan3A_55#2, %scan3A_93 = %scan3A_55#3) -> (vector<16xf32>, vector<16xf32>, vector<16xf32>, vector<16xf32>)  : i32 {
      %mul3A_94 = arith.constant 2 : i32
      %mul3A_95 = arith.muli %scan3A_89, %mul3A_94 : i32
      %add3A_96 = arith.constant 0 : i32
      %add3A_97 = arith.addi %mul3A_95, %add3A_96 : i32
      %get3A_98 = arith.index_cast %add3A_97 : i32 to index
      %get3A_99 = arith.constant 0 : index
      %get3A_100 = tpu.vector_load %arg5[%get3A_98, %get3A_99] {strides = array<i32>} : memref<200x128xi32, #tpu.memory_space<vmem>>, vector<1x16xi32>,
      %get3A_101 = vector.shape_cast %get3A_100 : vector<1x16xi32> to vector<16xi32>
      %lt3A = arith.constant 0 : i32
      %lt3A_102 = vector.broadcast %lt3A : i32 to vector<16xi32>
      %lt3A_103 = arith.cmpi slt, %get3A_101, %lt3A_102 : vector<16xi32>
      %add3A_104 = arith.constant 16 : i32
      %add3A_105 = vector.broadcast %add3A_104 : i32 to vector<16xi32>
      %add3A_106 = arith.addi %get3A_101, %add3A_105 : vector<16xi32>
      %select_n3A = arith.select %lt3A_103, %add3A_106, %get3A_101 : vector<16xi1>, vector<16xi32>
      %broadcast_in_dim3A_107 = vector.shape_cast %select_n3A : vector<16xi32> to vector<16x1xi32>
      %gather3A = vector.shape_cast %broadcast_in_dim3A_107 : vector<16x1xi32> to vector<16xi32>
      %gather3A_108 = tpu.dynamic_gather %add3A_32[%gather3A] in [0] : vector<16xf32>, vector<16xi32> -> vector<16xf32>
      %add3A_109 = arith.addf %scan3A_90, %gather3A_108 : vector<16xf32>
      %get3A_110 = arith.index_cast %add3A_97 : i32 to index
      %get3A_111 = arith.constant 16 : index
      %get3A_112 = tpu.vector_load %arg5[%get3A_110, %get3A_111] {strides = array<i32>} : memref<200x128xi32, #tpu.memory_space<vmem>>, vector<1x16xi32>,
      %get3A_113 = vector.shape_cast %get3A_112 : vector<1x16xi32> to vector<16xi32>
      %lt3A_114 = arith.constant 0 : i32
      %lt3A_115 = vector.broadcast %lt3A_114 : i32 to vector<16xi32>
      %lt3A_116 = arith.cmpi slt, %get3A_113, %lt3A_115 : vector<16xi32>
      %add3A_117 = arith.constant 16 : i32
      %add3A_118 = vector.broadcast %add3A_117 : i32 to vector<16xi32>
      %add3A_119 = arith.addi %get3A_113, %add3A_118 : vector<16xi32>
      %select_n3A_120 = arith.select %lt3A_116, %add3A_119, %get3A_113 : vector<16xi1>, vector<16xi32>
      %broadcast_in_dim3A_121 = vector.shape_cast %select_n3A_120 : vector<16xi32> to vector<16x1xi32>
      %gather3A_122 = vector.shape_cast %broadcast_in_dim3A_121 : vector<16x1xi32> to vector<16xi32>
      %gather3A_123 = tpu.dynamic_gather %add3A_32[%gather3A_122] in [0] : vector<16xf32>, vector<16xi32> -> vector<16xf32>
      %add3A_124 = arith.addf %scan3A_91, %gather3A_123 : vector<16xf32>
      %get3A_125 = arith.index_cast %add3A_97 : i32 to index
      %get3A_126 = arith.constant 32 : index
      %get3A_127 = tpu.vector_load %arg5[%get3A_125, %get3A_126] {strides = array<i32>} : memref<200x128xi32, #tpu.memory_space<vmem>>, vector<1x16xi32>,
      %get3A_128 = vector.shape_cast %get3A_127 : vector<1x16xi32> to vector<16xi32>
      %lt3A_129 = arith.constant 0 : i32
      %lt3A_130 = vector.broadcast %lt3A_129 : i32 to vector<16xi32>
      %lt3A_131 = arith.cmpi slt, %get3A_128, %lt3A_130 : vector<16xi32>
      %add3A_132 = arith.constant 16 : i32
      %add3A_133 = vector.broadcast %add3A_132 : i32 to vector<16xi32>
      %add3A_134 = arith.addi %get3A_128, %add3A_133 : vector<16xi32>
      %select_n3A_135 = arith.select %lt3A_131, %add3A_134, %get3A_128 : vector<16xi1>, vector<16xi32>
      %broadcast_in_dim3A_136 = vector.shape_cast %select_n3A_135 : vector<16xi32> to vector<16x1xi32>
      %gather3A_137 = vector.shape_cast %broadcast_in_dim3A_136 : vector<16x1xi32> to vector<16xi32>
      %gather3A_138 = tpu.dynamic_gather %add3A_32[%gather3A_137] in [0] : vector<16xf32>, vector<16xi32> -> vector<16xf32>
      %add3A_139 = arith.addf %scan3A_92, %gather3A_138 : vector<16xf32>
      %get3A_140 = arith.index_cast %add3A_97 : i32 to index
      %get3A_141 = arith.constant 48 : index
      %get3A_142 = tpu.vector_load %arg5[%get3A_140, %get3A_141] {strides = array<i32>} : memref<200x128xi32, #tpu.memory_space<vmem>>, vector<1x16xi32>,
      %get3A_143 = vector.shape_cast %get3A_142 : vector<1x16xi32> to vector<16xi32>
      %lt3A_144 = arith.constant 0 : i32
      %lt3A_145 = vector.broadcast %lt3A_144 : i32 to vector<16xi32>
      %lt3A_146 = arith.cmpi slt, %get3A_143, %lt3A_145 : vector<16xi32>
      %add3A_147 = arith.constant 16 : i32
      %add3A_148 = vector.broadcast %add3A_147 : i32 to vector<16xi32>
      %add3A_149 = arith.addi %get3A_143, %add3A_148 : vector<16xi32>
      %select_n3A_150 = arith.select %lt3A_146, %add3A_149, %get3A_143 : vector<16xi1>, vector<16xi32>
      %broadcast_in_dim3A_151 = vector.shape_cast %select_n3A_150 : vector<16xi32> to vector<16x1xi32>
      %gather3A_152 = vector.shape_cast %broadcast_in_dim3A_151 : vector<16x1xi32> to vector<16xi32>
      %gather3A_153 = tpu.dynamic_gather %add3A_32[%gather3A_152] in [0] : vector<16xf32>, vector<16xi32> -> vector<16xf32>
      %add3A_154 = arith.addf %scan3A_93, %gather3A_153 : vector<16xf32>
      %get3A_155 = arith.index_cast %add3A_97 : i32 to index
      %get3A_156 = arith.constant 64 : index
      %get3A_157 = tpu.vector_load %arg5[%get3A_155, %get3A_156] {strides = array<i32>} : memref<200x128xi32, #tpu.memory_space<vmem>>, vector<1x16xi32>,
      %get3A_158 = vector.shape_cast %get3A_157 : vector<1x16xi32> to vector<16xi32>
      %lt3A_159 = arith.constant 0 : i32
      %lt3A_160 = vector.broadcast %lt3A_159 : i32 to vector<16xi32>
      %lt3A_161 = arith.cmpi slt, %get3A_158, %lt3A_160 : vector<16xi32>
      %add3A_162 = arith.constant 16 : i32
      %add3A_163 = vector.broadcast %add3A_162 : i32 to vector<16xi32>
      %add3A_164 = arith.addi %get3A_158, %add3A_163 : vector<16xi32>
      %select_n3A_165 = arith.select %lt3A_161, %add3A_164, %get3A_158 : vector<16xi1>, vector<16xi32>
      %broadcast_in_dim3A_166 = vector.shape_cast %select_n3A_165 : vector<16xi32> to vector<16x1xi32>
      %gather3A_167 = vector.shape_cast %broadcast_in_dim3A_166 : vector<16x1xi32> to vector<16xi32>
      %gather3A_168 = tpu.dynamic_gather %add3A_32[%gather3A_167] in [0] : vector<16xf32>, vector<16xi32> -> vector<16xf32>
      %add3A_169 = arith.addf %add3A_109, %gather3A_168 : vector<16xf32>
      %get3A_170 = arith.index_cast %add3A_97 : i32 to index
      %get3A_171 = arith.constant 80 : index
      %get3A_172 = tpu.vector_load %arg5[%get3A_170, %get3A_171] {strides = array<i32>} : memref<200x128xi32, #tpu.memory_space<vmem>>, vector<1x16xi32>,
      %get3A_173 = vector.shape_cast %get3A_172 : vector<1x16xi32> to vector<16xi32>
      %lt3A_174 = arith.constant 0 : i32
      %lt3A_175 = vector.broadcast %lt3A_174 : i32 to vector<16xi32>
      %lt3A_176 = arith.cmpi slt, %get3A_173, %lt3A_175 : vector<16xi32>
      %add3A_177 = arith.constant 16 : i32
      %add3A_178 = vector.broadcast %add3A_177 : i32 to vector<16xi32>
      %add3A_179 = arith.addi %get3A_173, %add3A_178 : vector<16xi32>
      %select_n3A_180 = arith.select %lt3A_176, %add3A_179, %get3A_173 : vector<16xi1>, vector<16xi32>
      %broadcast_in_dim3A_181 = vector.shape_cast %select_n3A_180 : vector<16xi32> to vector<16x1xi32>
      %gather3A_182 = vector.shape_cast %broadcast_in_dim3A_181 : vector<16x1xi32> to vector<16xi32>
      %gather3A_183 = tpu.dynamic_gather %add3A_32[%gather3A_182] in [0] : vector<16xf32>, vector<16xi32> -> vector<16xf32>
      %add3A_184 = arith.addf %add3A_124, %gather3A_183 : vector<16xf32>
      %get3A_185 = arith.index_cast %add3A_97 : i32 to index
      %get3A_186 = arith.constant 96 : index
      %get3A_187 = tpu.vector_load %arg5[%get3A_185, %get3A_186] {strides = array<i32>} : memref<200x128xi32, #tpu.memory_space<vmem>>, vector<1x16xi32>,
      %get3A_188 = vector.shape_cast %get3A_187 : vector<1x16xi32> to vector<16xi32>
      %lt3A_189 = arith.constant 0 : i32
      %lt3A_190 = vector.broadcast %lt3A_189 : i32 to vector<16xi32>
      %lt3A_191 = arith.cmpi slt, %get3A_188, %lt3A_190 : vector<16xi32>
      %add3A_192 = arith.constant 16 : i32
      %add3A_193 = vector.broadcast %add3A_192 : i32 to vector<16xi32>
      %add3A_194 = arith.addi %get3A_188, %add3A_193 : vector<16xi32>
      %select_n3A_195 = arith.select %lt3A_191, %add3A_194, %get3A_188 : vector<16xi1>, vector<16xi32>
      %broadcast_in_dim3A_196 = vector.shape_cast %select_n3A_195 : vector<16xi32> to vector<16x1xi32>
      %gather3A_197 = vector.shape_cast %broadcast_in_dim3A_196 : vector<16x1xi32> to vector<16xi32>
      %gather3A_198 = tpu.dynamic_gather %add3A_32[%gather3A_197] in [0] : vector<16xf32>, vector<16xi32> -> vector<16xf32>
      %add3A_199 = arith.addf %add3A_139, %gather3A_198 : vector<16xf32>
      %get3A_200 = arith.index_cast %add3A_97 : i32 to index
      %get3A_201 = arith.constant 112 : index
      %get3A_202 = tpu.vector_load %arg5[%get3A_200, %get3A_201] {strides = array<i32>} : memref<200x128xi32, #tpu.memory_space<vmem>>, vector<1x16xi32>,
      %get3A_203 = vector.shape_cast %get3A_202 : vector<1x16xi32> to vector<16xi32>
      %lt3A_204 = arith.constant 0 : i32
      %lt3A_205 = vector.broadcast %lt3A_204 : i32 to vector<16xi32>
      %lt3A_206 = arith.cmpi slt, %get3A_203, %lt3A_205 : vector<16xi32>
      %add3A_207 = arith.constant 16 : i32
      %add3A_208 = vector.broadcast %add3A_207 : i32 to vector<16xi32>
      %add3A_209 = arith.addi %get3A_203, %add3A_208 : vector<16xi32>
      %select_n3A_210 = arith.select %lt3A_206, %add3A_209, %get3A_203 : vector<16xi1>, vector<16xi32>
      %broadcast_in_dim3A_211 = vector.shape_cast %select_n3A_210 : vector<16xi32> to vector<16x1xi32>
      %gather3A_212 = vector.shape_cast %broadcast_in_dim3A_211 : vector<16x1xi32> to vector<16xi32>
      %gather3A_213 = tpu.dynamic_gather %add3A_32[%gather3A_212] in [0] : vector<16xf32>, vector<16xi32> -> vector<16xf32>
      %add3A_214 = arith.addf %add3A_154, %gather3A_213 : vector<16xf32>
      %mul3A_215 = arith.constant 2 : i32
      %mul3A_216 = arith.muli %scan3A_89, %mul3A_215 : i32
      %add3A_217 = arith.constant 1 : i32
      %add3A_218 = arith.addi %mul3A_216, %add3A_217 : i32
      %get3A_219 = arith.index_cast %add3A_218 : i32 to index
      %get3A_220 = arith.constant 0 : index
      %get3A_221 = tpu.vector_load %arg5[%get3A_219, %get3A_220] {strides = array<i32>} : memref<200x128xi32, #tpu.memory_space<vmem>>, vector<1x16xi32>,
      %get3A_222 = vector.shape_cast %get3A_221 : vector<1x16xi32> to vector<16xi32>
      %lt3A_223 = arith.constant 0 : i32
      %lt3A_224 = vector.broadcast %lt3A_223 : i32 to vector<16xi32>
      %lt3A_225 = arith.cmpi slt, %get3A_222, %lt3A_224 : vector<16xi32>
      %add3A_226 = arith.constant 16 : i32
      %add3A_227 = vector.broadcast %add3A_226 : i32 to vector<16xi32>
      %add3A_228 = arith.addi %get3A_222, %add3A_227 : vector<16xi32>
      %select_n3A_229 = arith.select %lt3A_225, %add3A_228, %get3A_222 : vector<16xi1>, vector<16xi32>
      %broadcast_in_dim3A_230 = vector.shape_cast %select_n3A_229 : vector<16xi32> to vector<16x1xi32>
      %gather3A_231 = vector.shape_cast %broadcast_in_dim3A_230 : vector<16x1xi32> to vector<16xi32>
      %gather3A_232 = tpu.dynamic_gather %add3A_32[%gather3A_231] in [0] : vector<16xf32>, vector<16xi32> -> vector<16xf32>
      %add3A_233 = arith.addf %add3A_169, %gather3A_232 : vector<16xf32>
      %get3A_234 = arith.index_cast %add3A_218 : i32 to index
      %get3A_235 = arith.constant 16 : index
      %get3A_236 = tpu.vector_load %arg5[%get3A_234, %get3A_235] {strides = array<i32>} : memref<200x128xi32, #tpu.memory_space<vmem>>, vector<1x16xi32>,
      %get3A_237 = vector.shape_cast %get3A_236 : vector<1x16xi32> to vector<16xi32>
      %lt3A_238 = arith.constant 0 : i32
      %lt3A_239 = vector.broadcast %lt3A_238 : i32 to vector<16xi32>
      %lt3A_240 = arith.cmpi slt, %get3A_237, %lt3A_239 : vector<16xi32>
      %add3A_241 = arith.constant 16 : i32
      %add3A_242 = vector.broadcast %add3A_241 : i32 to vector<16xi32>
      %add3A_243 = arith.addi %get3A_237, %add3A_242 : vector<16xi32>
      %select_n3A_244 = arith.select %lt3A_240, %add3A_243, %get3A_237 : vector<16xi1>, vector<16xi32>
      %broadcast_in_dim3A_245 = vector.shape_cast %select_n3A_244 : vector<16xi32> to vector<16x1xi32>
      %gather3A_246 = vector.shape_cast %broadcast_in_dim3A_245 : vector<16x1xi32> to vector<16xi32>
      %gather3A_247 = tpu.dynamic_gather %add3A_32[%gather3A_246] in [0] : vector<16xf32>, vector<16xi32> -> vector<16xf32>
      %add3A_248 = arith.addf %add3A_184, %gather3A_247 : vector<16xf32>
      %get3A_249 = arith.index_cast %add3A_218 : i32 to index
      %get3A_250 = arith.constant 32 : index
      %get3A_251 = tpu.vector_load %arg5[%get3A_249, %get3A_250] {strides = array<i32>} : memref<200x128xi32, #tpu.memory_space<vmem>>, vector<1x16xi32>,
      %get3A_252 = vector.shape_cast %get3A_251 : vector<1x16xi32> to vector<16xi32>
      %lt3A_253 = arith.constant 0 : i32
      %lt3A_254 = vector.broadcast %lt3A_253 : i32 to vector<16xi32>
      %lt3A_255 = arith.cmpi slt, %get3A_252, %lt3A_254 : vector<16xi32>
      %add3A_256 = arith.constant 16 : i32
      %add3A_257 = vector.broadcast %add3A_256 : i32 to vector<16xi32>
      %add3A_258 = arith.addi %get3A_252, %add3A_257 : vector<16xi32>
      %select_n3A_259 = arith.select %lt3A_255, %add3A_258, %get3A_252 : vector<16xi1>, vector<16xi32>
      %broadcast_in_dim3A_260 = vector.shape_cast %select_n3A_259 : vector<16xi32> to vector<16x1xi32>
      %gather3A_261 = vector.shape_cast %broadcast_in_dim3A_260 : vector<16x1xi32> to vector<16xi32>
      %gather3A_262 = tpu.dynamic_gather %add3A_32[%gather3A_261] in [0] : vector<16xf32>, vector<16xi32> -> vector<16xf32>
      %add3A_263 = arith.addf %add3A_199, %gather3A_262 : vector<16xf32>
      %get3A_264 = arith.index_cast %add3A_218 : i32 to index
      %get3A_265 = arith.constant 48 : index
      %get3A_266 = tpu.vector_load %arg5[%get3A_264, %get3A_265] {strides = array<i32>} : memref<200x128xi32, #tpu.memory_space<vmem>>, vector<1x16xi32>,
      %get3A_267 = vector.shape_cast %get3A_266 : vector<1x16xi32> to vector<16xi32>
      %lt3A_268 = arith.constant 0 : i32
      %lt3A_269 = vector.broadcast %lt3A_268 : i32 to vector<16xi32>
      %lt3A_270 = arith.cmpi slt, %get3A_267, %lt3A_269 : vector<16xi32>
      %add3A_271 = arith.constant 16 : i32
      %add3A_272 = vector.broadcast %add3A_271 : i32 to vector<16xi32>
      %add3A_273 = arith.addi %get3A_267, %add3A_272 : vector<16xi32>
      %select_n3A_274 = arith.select %lt3A_270, %add3A_273, %get3A_267 : vector<16xi1>, vector<16xi32>
      %broadcast_in_dim3A_275 = vector.shape_cast %select_n3A_274 : vector<16xi32> to vector<16x1xi32>
      %gather3A_276 = vector.shape_cast %broadcast_in_dim3A_275 : vector<16x1xi32> to vector<16xi32>
      %gather3A_277 = tpu.dynamic_gather %add3A_32[%gather3A_276] in [0] : vector<16xf32>, vector<16xi32> -> vector<16xf32>
      %add3A_278 = arith.addf %add3A_214, %gather3A_277 : vector<16xf32>
      %get3A_279 = arith.index_cast %add3A_218 : i32 to index
      %get3A_280 = arith.constant 64 : index
      %get3A_281 = tpu.vector_load %arg5[%get3A_279, %get3A_280] {strides = array<i32>} : memref<200x128xi32, #tpu.memory_space<vmem>>, vector<1x16xi32>,
      %get3A_282 = vector.shape_cast %get3A_281 : vector<1x16xi32> to vector<16xi32>
      %lt3A_283 = arith.constant 0 : i32
      %lt3A_284 = vector.broadcast %lt3A_283 : i32 to vector<16xi32>
      %lt3A_285 = arith.cmpi slt, %get3A_282, %lt3A_284 : vector<16xi32>
      %add3A_286 = arith.constant 16 : i32
      %add3A_287 = vector.broadcast %add3A_286 : i32 to vector<16xi32>
      %add3A_288 = arith.addi %get3A_282, %add3A_287 : vector<16xi32>
      %select_n3A_289 = arith.select %lt3A_285, %add3A_288, %get3A_282 : vector<16xi1>, vector<16xi32>
      %broadcast_in_dim3A_290 = vector.shape_cast %select_n3A_289 : vector<16xi32> to vector<16x1xi32>
      %gather3A_291 = vector.shape_cast %broadcast_in_dim3A_290 : vector<16x1xi32> to vector<16xi32>
      %gather3A_292 = tpu.dynamic_gather %add3A_32[%gather3A_291] in [0] : vector<16xf32>, vector<16xi32> -> vector<16xf32>
      %add3A_293 = arith.addf %add3A_233, %gather3A_292 : vector<16xf32>
      %get3A_294 = arith.index_cast %add3A_218 : i32 to index
      %get3A_295 = arith.constant 80 : index
      %get3A_296 = tpu.vector_load %arg5[%get3A_294, %get3A_295] {strides = array<i32>} : memref<200x128xi32, #tpu.memory_space<vmem>>, vector<1x16xi32>,
      %get3A_297 = vector.shape_cast %get3A_296 : vector<1x16xi32> to vector<16xi32>
      %lt3A_298 = arith.constant 0 : i32
      %lt3A_299 = vector.broadcast %lt3A_298 : i32 to vector<16xi32>
      %lt3A_300 = arith.cmpi slt, %get3A_297, %lt3A_299 : vector<16xi32>
      %add3A_301 = arith.constant 16 : i32
      %add3A_302 = vector.broadcast %add3A_301 : i32 to vector<16xi32>
      %add3A_303 = arith.addi %get3A_297, %add3A_302 : vector<16xi32>
      %select_n3A_304 = arith.select %lt3A_300, %add3A_303, %get3A_297 : vector<16xi1>, vector<16xi32>
      %broadcast_in_dim3A_305 = vector.shape_cast %select_n3A_304 : vector<16xi32> to vector<16x1xi32>
      %gather3A_306 = vector.shape_cast %broadcast_in_dim3A_305 : vector<16x1xi32> to vector<16xi32>
      %gather3A_307 = tpu.dynamic_gather %add3A_32[%gather3A_306] in [0] : vector<16xf32>, vector<16xi32> -> vector<16xf32>
      %add3A_308 = arith.addf %add3A_248, %gather3A_307 : vector<16xf32>
      %get3A_309 = arith.index_cast %add3A_218 : i32 to index
      %get3A_310 = arith.constant 96 : index
      %get3A_311 = tpu.vector_load %arg5[%get3A_309, %get3A_310] {strides = array<i32>} : memref<200x128xi32, #tpu.memory_space<vmem>>, vector<1x16xi32>,
      %get3A_312 = vector.shape_cast %get3A_311 : vector<1x16xi32> to vector<16xi32>
      %lt3A_313 = arith.constant 0 : i32
      %lt3A_314 = vector.broadcast %lt3A_313 : i32 to vector<16xi32>
      %lt3A_315 = arith.cmpi slt, %get3A_312, %lt3A_314 : vector<16xi32>
      %add3A_316 = arith.constant 16 : i32
      %add3A_317 = vector.broadcast %add3A_316 : i32 to vector<16xi32>
      %add3A_318 = arith.addi %get3A_312, %add3A_317 : vector<16xi32>
      %select_n3A_319 = arith.select %lt3A_315, %add3A_318, %get3A_312 : vector<16xi1>, vector<16xi32>
      %broadcast_in_dim3A_320 = vector.shape_cast %select_n3A_319 : vector<16xi32> to vector<16x1xi32>
      %gather3A_321 = vector.shape_cast %broadcast_in_dim3A_320 : vector<16x1xi32> to vector<16xi32>
      %gather3A_322 = tpu.dynamic_gather %add3A_32[%gather3A_321] in [0] : vector<16xf32>, vector<16xi32> -> vector<16xf32>
      %add3A_323 = arith.addf %add3A_263, %gather3A_322 : vector<16xf32>
      %get3A_324 = arith.index_cast %add3A_218 : i32 to index
      %get3A_325 = arith.constant 112 : index
      %get3A_326 = tpu.vector_load %arg5[%get3A_324, %get3A_325] {strides = array<i32>} : memref<200x128xi32, #tpu.memory_space<vmem>>, vector<1x16xi32>,
      %get3A_327 = vector.shape_cast %get3A_326 : vector<1x16xi32> to vector<16xi32>
      %lt3A_328 = arith.constant 0 : i32
      %lt3A_329 = vector.broadcast %lt3A_328 : i32 to vector<16xi32>
      %lt3A_330 = arith.cmpi slt, %get3A_327, %lt3A_329 : vector<16xi32>
      %add3A_331 = arith.constant 16 : i32
      %add3A_332 = vector.broadcast %add3A_331 : i32 to vector<16xi32>
      %add3A_333 = arith.addi %get3A_327, %add3A_332 : vector<16xi32>
      %select_n3A_334 = arith.select %lt3A_330, %add3A_333, %get3A_327 : vector<16xi1>, vector<16xi32>
      %broadcast_in_dim3A_335 = vector.shape_cast %select_n3A_334 : vector<16xi32> to vector<16x1xi32>
      %gather3A_336 = vector.shape_cast %broadcast_in_dim3A_335 : vector<16x1xi32> to vector<16xi32>
      %gather3A_337 = tpu.dynamic_gather %add3A_32[%gather3A_336] in [0] : vector<16xf32>, vector<16xi32> -> vector<16xf32>
      %add3A_338 = arith.addf %add3A_278, %gather3A_337 : vector<16xf32>
      scf.yield %add3A_293, %add3A_308, %add3A_323, %add3A_338 : vector<16xf32>, vector<16xf32>, vector<16xf32>, vector<16xf32>
    }
    %scan3A_72 = arith.constant 100 : i32
    %dma_wait3A_73 = arith.constant 0 : i32
    %dma_wait3A_74 = tpu.memref_slice %arg2[%dma_wait3A_73, %add3A_58] : memref<200x16384xi32, #tpu.memory_space<hbm>> -> memref<200x128xi32, #tpu.memory_space<hbm>>
    %dma_wait3A_75 = arith.constant 0 : i32
    %dma_wait3A_76 = tpu.memref_slice %arg2[%dma_wait3A_75, %add3A_58] : memref<200x16384xi32, #tpu.memory_space<hbm>> -> memref<200x128xi32, #tpu.memory_space<hbm>>
    tpu.wait_dma2 semaphore(%arg10 : memref<!tpu.dma_semaphore, #tpu.memory_space<semaphore_mem>>) src(%dma_wait3A_76 : memref<200x128xi32, #tpu.memory_space<hbm>>) dst(%arg6 : memref<200x128xi32, #tpu.memory_space<vmem>>)
    %scan3A_77 = arith.constant 0 : i32
    %scan3A_78 = arith.constant 100 : i32
    %scan3A_79 = arith.addi %scan3A_77, %scan3A_78 : i32
    %scan3A_80 = arith.constant 1 : i32
    %scan3A_81:4 = scf.for %scan3A_89 = %scan3A_77 to %scan3A_79 step %scan3A_80 iter_args(%scan3A_90 = %scan3A_71#0, %scan3A_91 = %scan3A_71#1, %scan3A_92 = %scan3A_71#2, %scan3A_93 = %scan3A_71#3) -> (vector<16xf32>, vector<16xf32>, vector<16xf32>, vector<16xf32>)  : i32 {
      %mul3A_94 = arith.constant 2 : i32
      %mul3A_95 = arith.muli %scan3A_89, %mul3A_94 : i32
      %add3A_96 = arith.constant 0 : i32
      %add3A_97 = arith.addi %mul3A_95, %add3A_96 : i32
      %get3A_98 = arith.index_cast %add3A_97 : i32 to index
      %get3A_99 = arith.constant 0 : index
      %get3A_100 = tpu.vector_load %arg6[%get3A_98, %get3A_99] {strides = array<i32>} : memref<200x128xi32, #tpu.memory_space<vmem>>, vector<1x16xi32>,
      %get3A_101 = vector.shape_cast %get3A_100 : vector<1x16xi32> to vector<16xi32>
      %lt3A = arith.constant 0 : i32
      %lt3A_102 = vector.broadcast %lt3A : i32 to vector<16xi32>
      %lt3A_103 = arith.cmpi slt, %get3A_101, %lt3A_102 : vector<16xi32>
      %add3A_104 = arith.constant 16 : i32
      %add3A_105 = vector.broadcast %add3A_104 : i32 to vector<16xi32>
      %add3A_106 = arith.addi %get3A_101, %add3A_105 : vector<16xi32>
      %select_n3A = arith.select %lt3A_103, %add3A_106, %get3A_101 : vector<16xi1>, vector<16xi32>
      %broadcast_in_dim3A_107 = vector.shape_cast %select_n3A : vector<16xi32> to vector<16x1xi32>
      %gather3A = vector.shape_cast %broadcast_in_dim3A_107 : vector<16x1xi32> to vector<16xi32>
      %gather3A_108 = tpu.dynamic_gather %add3A_32[%gather3A] in [0] : vector<16xf32>, vector<16xi32> -> vector<16xf32>
      %add3A_109 = arith.addf %scan3A_90, %gather3A_108 : vector<16xf32>
      %get3A_110 = arith.index_cast %add3A_97 : i32 to index
      %get3A_111 = arith.constant 16 : index
      %get3A_112 = tpu.vector_load %arg6[%get3A_110, %get3A_111] {strides = array<i32>} : memref<200x128xi32, #tpu.memory_space<vmem>>, vector<1x16xi32>,
      %get3A_113 = vector.shape_cast %get3A_112 : vector<1x16xi32> to vector<16xi32>
      %lt3A_114 = arith.constant 0 : i32
      %lt3A_115 = vector.broadcast %lt3A_114 : i32 to vector<16xi32>
      %lt3A_116 = arith.cmpi slt, %get3A_113, %lt3A_115 : vector<16xi32>
      %add3A_117 = arith.constant 16 : i32
      %add3A_118 = vector.broadcast %add3A_117 : i32 to vector<16xi32>
      %add3A_119 = arith.addi %get3A_113, %add3A_118 : vector<16xi32>
      %select_n3A_120 = arith.select %lt3A_116, %add3A_119, %get3A_113 : vector<16xi1>, vector<16xi32>
      %broadcast_in_dim3A_121 = vector.shape_cast %select_n3A_120 : vector<16xi32> to vector<16x1xi32>
      %gather3A_122 = vector.shape_cast %broadcast_in_dim3A_121 : vector<16x1xi32> to vector<16xi32>
      %gather3A_123 = tpu.dynamic_gather %add3A_32[%gather3A_122] in [0] : vector<16xf32>, vector<16xi32> -> vector<16xf32>
      %add3A_124 = arith.addf %scan3A_91, %gather3A_123 : vector<16xf32>
      %get3A_125 = arith.index_cast %add3A_97 : i32 to index
      %get3A_126 = arith.constant 32 : index
      %get3A_127 = tpu.vector_load %arg6[%get3A_125, %get3A_126] {strides = array<i32>} : memref<200x128xi32, #tpu.memory_space<vmem>>, vector<1x16xi32>,
      %get3A_128 = vector.shape_cast %get3A_127 : vector<1x16xi32> to vector<16xi32>
      %lt3A_129 = arith.constant 0 : i32
      %lt3A_130 = vector.broadcast %lt3A_129 : i32 to vector<16xi32>
      %lt3A_131 = arith.cmpi slt, %get3A_128, %lt3A_130 : vector<16xi32>
      %add3A_132 = arith.constant 16 : i32
      %add3A_133 = vector.broadcast %add3A_132 : i32 to vector<16xi32>
      %add3A_134 = arith.addi %get3A_128, %add3A_133 : vector<16xi32>
      %select_n3A_135 = arith.select %lt3A_131, %add3A_134, %get3A_128 : vector<16xi1>, vector<16xi32>
      %broadcast_in_dim3A_136 = vector.shape_cast %select_n3A_135 : vector<16xi32> to vector<16x1xi32>
      %gather3A_137 = vector.shape_cast %broadcast_in_dim3A_136 : vector<16x1xi32> to vector<16xi32>
      %gather3A_138 = tpu.dynamic_gather %add3A_32[%gather3A_137] in [0] : vector<16xf32>, vector<16xi32> -> vector<16xf32>
      %add3A_139 = arith.addf %scan3A_92, %gather3A_138 : vector<16xf32>
      %get3A_140 = arith.index_cast %add3A_97 : i32 to index
      %get3A_141 = arith.constant 48 : index
      %get3A_142 = tpu.vector_load %arg6[%get3A_140, %get3A_141] {strides = array<i32>} : memref<200x128xi32, #tpu.memory_space<vmem>>, vector<1x16xi32>,
      %get3A_143 = vector.shape_cast %get3A_142 : vector<1x16xi32> to vector<16xi32>
      %lt3A_144 = arith.constant 0 : i32
      %lt3A_145 = vector.broadcast %lt3A_144 : i32 to vector<16xi32>
      %lt3A_146 = arith.cmpi slt, %get3A_143, %lt3A_145 : vector<16xi32>
      %add3A_147 = arith.constant 16 : i32
      %add3A_148 = vector.broadcast %add3A_147 : i32 to vector<16xi32>
      %add3A_149 = arith.addi %get3A_143, %add3A_148 : vector<16xi32>
      %select_n3A_150 = arith.select %lt3A_146, %add3A_149, %get3A_143 : vector<16xi1>, vector<16xi32>
      %broadcast_in_dim3A_151 = vector.shape_cast %select_n3A_150 : vector<16xi32> to vector<16x1xi32>
      %gather3A_152 = vector.shape_cast %broadcast_in_dim3A_151 : vector<16x1xi32> to vector<16xi32>
      %gather3A_153 = tpu.dynamic_gather %add3A_32[%gather3A_152] in [0] : vector<16xf32>, vector<16xi32> -> vector<16xf32>
      %add3A_154 = arith.addf %scan3A_93, %gather3A_153 : vector<16xf32>
      %get3A_155 = arith.index_cast %add3A_97 : i32 to index
      %get3A_156 = arith.constant 64 : index
      %get3A_157 = tpu.vector_load %arg6[%get3A_155, %get3A_156] {strides = array<i32>} : memref<200x128xi32, #tpu.memory_space<vmem>>, vector<1x16xi32>,
      %get3A_158 = vector.shape_cast %get3A_157 : vector<1x16xi32> to vector<16xi32>
      %lt3A_159 = arith.constant 0 : i32
      %lt3A_160 = vector.broadcast %lt3A_159 : i32 to vector<16xi32>
      %lt3A_161 = arith.cmpi slt, %get3A_158, %lt3A_160 : vector<16xi32>
      %add3A_162 = arith.constant 16 : i32
      %add3A_163 = vector.broadcast %add3A_162 : i32 to vector<16xi32>
      %add3A_164 = arith.addi %get3A_158, %add3A_163 : vector<16xi32>
      %select_n3A_165 = arith.select %lt3A_161, %add3A_164, %get3A_158 : vector<16xi1>, vector<16xi32>
      %broadcast_in_dim3A_166 = vector.shape_cast %select_n3A_165 : vector<16xi32> to vector<16x1xi32>
      %gather3A_167 = vector.shape_cast %broadcast_in_dim3A_166 : vector<16x1xi32> to vector<16xi32>
      %gather3A_168 = tpu.dynamic_gather %add3A_32[%gather3A_167] in [0] : vector<16xf32>, vector<16xi32> -> vector<16xf32>
      %add3A_169 = arith.addf %add3A_109, %gather3A_168 : vector<16xf32>
      %get3A_170 = arith.index_cast %add3A_97 : i32 to index
      %get3A_171 = arith.constant 80 : index
      %get3A_172 = tpu.vector_load %arg6[%get3A_170, %get3A_171] {strides = array<i32>} : memref<200x128xi32, #tpu.memory_space<vmem>>, vector<1x16xi32>,
      %get3A_173 = vector.shape_cast %get3A_172 : vector<1x16xi32> to vector<16xi32>
      %lt3A_174 = arith.constant 0 : i32
      %lt3A_175 = vector.broadcast %lt3A_174 : i32 to vector<16xi32>
      %lt3A_176 = arith.cmpi slt, %get3A_173, %lt3A_175 : vector<16xi32>
      %add3A_177 = arith.constant 16 : i32
      %add3A_178 = vector.broadcast %add3A_177 : i32 to vector<16xi32>
      %add3A_179 = arith.addi %get3A_173, %add3A_178 : vector<16xi32>
      %select_n3A_180 = arith.select %lt3A_176, %add3A_179, %get3A_173 : vector<16xi1>, vector<16xi32>
      %broadcast_in_dim3A_181 = vector.shape_cast %select_n3A_180 : vector<16xi32> to vector<16x1xi32>
      %gather3A_182 = vector.shape_cast %broadcast_in_dim3A_181 : vector<16x1xi32> to vector<16xi32>
      %gather3A_183 = tpu.dynamic_gather %add3A_32[%gather3A_182] in [0] : vector<16xf32>, vector<16xi32> -> vector<16xf32>
      %add3A_184 = arith.addf %add3A_124, %gather3A_183 : vector<16xf32>
      %get3A_185 = arith.index_cast %add3A_97 : i32 to index
      %get3A_186 = arith.constant 96 : index
      %get3A_187 = tpu.vector_load %arg6[%get3A_185, %get3A_186] {strides = array<i32>} : memref<200x128xi32, #tpu.memory_space<vmem>>, vector<1x16xi32>,
      %get3A_188 = vector.shape_cast %get3A_187 : vector<1x16xi32> to vector<16xi32>
      %lt3A_189 = arith.constant 0 : i32
      %lt3A_190 = vector.broadcast %lt3A_189 : i32 to vector<16xi32>
      %lt3A_191 = arith.cmpi slt, %get3A_188, %lt3A_190 : vector<16xi32>
      %add3A_192 = arith.constant 16 : i32
      %add3A_193 = vector.broadcast %add3A_192 : i32 to vector<16xi32>
      %add3A_194 = arith.addi %get3A_188, %add3A_193 : vector<16xi32>
      %select_n3A_195 = arith.select %lt3A_191, %add3A_194, %get3A_188 : vector<16xi1>, vector<16xi32>
      %broadcast_in_dim3A_196 = vector.shape_cast %select_n3A_195 : vector<16xi32> to vector<16x1xi32>
      %gather3A_197 = vector.shape_cast %broadcast_in_dim3A_196 : vector<16x1xi32> to vector<16xi32>
      %gather3A_198 = tpu.dynamic_gather %add3A_32[%gather3A_197] in [0] : vector<16xf32>, vector<16xi32> -> vector<16xf32>
      %add3A_199 = arith.addf %add3A_139, %gather3A_198 : vector<16xf32>
      %get3A_200 = arith.index_cast %add3A_97 : i32 to index
      %get3A_201 = arith.constant 112 : index
      %get3A_202 = tpu.vector_load %arg6[%get3A_200, %get3A_201] {strides = array<i32>} : memref<200x128xi32, #tpu.memory_space<vmem>>, vector<1x16xi32>,
      %get3A_203 = vector.shape_cast %get3A_202 : vector<1x16xi32> to vector<16xi32>
      %lt3A_204 = arith.constant 0 : i32
      %lt3A_205 = vector.broadcast %lt3A_204 : i32 to vector<16xi32>
      %lt3A_206 = arith.cmpi slt, %get3A_203, %lt3A_205 : vector<16xi32>
      %add3A_207 = arith.constant 16 : i32
      %add3A_208 = vector.broadcast %add3A_207 : i32 to vector<16xi32>
      %add3A_209 = arith.addi %get3A_203, %add3A_208 : vector<16xi32>
      %select_n3A_210 = arith.select %lt3A_206, %add3A_209, %get3A_203 : vector<16xi1>, vector<16xi32>
      %broadcast_in_dim3A_211 = vector.shape_cast %select_n3A_210 : vector<16xi32> to vector<16x1xi32>
      %gather3A_212 = vector.shape_cast %broadcast_in_dim3A_211 : vector<16x1xi32> to vector<16xi32>
      %gather3A_213 = tpu.dynamic_gather %add3A_32[%gather3A_212] in [0] : vector<16xf32>, vector<16xi32> -> vector<16xf32>
      %add3A_214 = arith.addf %add3A_154, %gather3A_213 : vector<16xf32>
      %mul3A_215 = arith.constant 2 : i32
      %mul3A_216 = arith.muli %scan3A_89, %mul3A_215 : i32
      %add3A_217 = arith.constant 1 : i32
      %add3A_218 = arith.addi %mul3A_216, %add3A_217 : i32
      %get3A_219 = arith.index_cast %add3A_218 : i32 to index
      %get3A_220 = arith.constant 0 : index
      %get3A_221 = tpu.vector_load %arg6[%get3A_219, %get3A_220] {strides = array<i32>} : memref<200x128xi32, #tpu.memory_space<vmem>>, vector<1x16xi32>,
      %get3A_222 = vector.shape_cast %get3A_221 : vector<1x16xi32> to vector<16xi32>
      %lt3A_223 = arith.constant 0 : i32
      %lt3A_224 = vector.broadcast %lt3A_223 : i32 to vector<16xi32>
      %lt3A_225 = arith.cmpi slt, %get3A_222, %lt3A_224 : vector<16xi32>
      %add3A_226 = arith.constant 16 : i32
      %add3A_227 = vector.broadcast %add3A_226 : i32 to vector<16xi32>
      %add3A_228 = arith.addi %get3A_222, %add3A_227 : vector<16xi32>
      %select_n3A_229 = arith.select %lt3A_225, %add3A_228, %get3A_222 : vector<16xi1>, vector<16xi32>
      %broadcast_in_dim3A_230 = vector.shape_cast %select_n3A_229 : vector<16xi32> to vector<16x1xi32>
      %gather3A_231 = vector.shape_cast %broadcast_in_dim3A_230 : vector<16x1xi32> to vector<16xi32>
      %gather3A_232 = tpu.dynamic_gather %add3A_32[%gather3A_231] in [0] : vector<16xf32>, vector<16xi32> -> vector<16xf32>
      %add3A_233 = arith.addf %add3A_169, %gather3A_232 : vector<16xf32>
      %get3A_234 = arith.index_cast %add3A_218 : i32 to index
      %get3A_235 = arith.constant 16 : index
      %get3A_236 = tpu.vector_load %arg6[%get3A_234, %get3A_235] {strides = array<i32>} : memref<200x128xi32, #tpu.memory_space<vmem>>, vector<1x16xi32>,
      %get3A_237 = vector.shape_cast %get3A_236 : vector<1x16xi32> to vector<16xi32>
      %lt3A_238 = arith.constant 0 : i32
      %lt3A_239 = vector.broadcast %lt3A_238 : i32 to vector<16xi32>
      %lt3A_240 = arith.cmpi slt, %get3A_237, %lt3A_239 : vector<16xi32>
      %add3A_241 = arith.constant 16 : i32
      %add3A_242 = vector.broadcast %add3A_241 : i32 to vector<16xi32>
      %add3A_243 = arith.addi %get3A_237, %add3A_242 : vector<16xi32>
      %select_n3A_244 = arith.select %lt3A_240, %add3A_243, %get3A_237 : vector<16xi1>, vector<16xi32>
      %broadcast_in_dim3A_245 = vector.shape_cast %select_n3A_244 : vector<16xi32> to vector<16x1xi32>
      %gather3A_246 = vector.shape_cast %broadcast_in_dim3A_245 : vector<16x1xi32> to vector<16xi32>
      %gather3A_247 = tpu.dynamic_gather %add3A_32[%gather3A_246] in [0] : vector<16xf32>, vector<16xi32> -> vector<16xf32>
      %add3A_248 = arith.addf %add3A_184, %gather3A_247 : vector<16xf32>
      %get3A_249 = arith.index_cast %add3A_218 : i32 to index
      %get3A_250 = arith.constant 32 : index
      %get3A_251 = tpu.vector_load %arg6[%get3A_249, %get3A_250] {strides = array<i32>} : memref<200x128xi32, #tpu.memory_space<vmem>>, vector<1x16xi32>,
      %get3A_252 = vector.shape_cast %get3A_251 : vector<1x16xi32> to vector<16xi32>
      %lt3A_253 = arith.constant 0 : i32
      %lt3A_254 = vector.broadcast %lt3A_253 : i32 to vector<16xi32>
      %lt3A_255 = arith.cmpi slt, %get3A_252, %lt3A_254 : vector<16xi32>
      %add3A_256 = arith.constant 16 : i32
      %add3A_257 = vector.broadcast %add3A_256 : i32 to vector<16xi32>
      %add3A_258 = arith.addi %get3A_252, %add3A_257 : vector<16xi32>
      %select_n3A_259 = arith.select %lt3A_255, %add3A_258, %get3A_252 : vector<16xi1>, vector<16xi32>
      %broadcast_in_dim3A_260 = vector.shape_cast %select_n3A_259 : vector<16xi32> to vector<16x1xi32>
      %gather3A_261 = vector.shape_cast %broadcast_in_dim3A_260 : vector<16x1xi32> to vector<16xi32>
      %gather3A_262 = tpu.dynamic_gather %add3A_32[%gather3A_261] in [0] : vector<16xf32>, vector<16xi32> -> vector<16xf32>
      %add3A_263 = arith.addf %add3A_199, %gather3A_262 : vector<16xf32>
      %get3A_264 = arith.index_cast %add3A_218 : i32 to index
      %get3A_265 = arith.constant 48 : index
      %get3A_266 = tpu.vector_load %arg6[%get3A_264, %get3A_265] {strides = array<i32>} : memref<200x128xi32, #tpu.memory_space<vmem>>, vector<1x16xi32>,
      %get3A_267 = vector.shape_cast %get3A_266 : vector<1x16xi32> to vector<16xi32>
      %lt3A_268 = arith.constant 0 : i32
      %lt3A_269 = vector.broadcast %lt3A_268 : i32 to vector<16xi32>
      %lt3A_270 = arith.cmpi slt, %get3A_267, %lt3A_269 : vector<16xi32>
      %add3A_271 = arith.constant 16 : i32
      %add3A_272 = vector.broadcast %add3A_271 : i32 to vector<16xi32>
      %add3A_273 = arith.addi %get3A_267, %add3A_272 : vector<16xi32>
      %select_n3A_274 = arith.select %lt3A_270, %add3A_273, %get3A_267 : vector<16xi1>, vector<16xi32>
      %broadcast_in_dim3A_275 = vector.shape_cast %select_n3A_274 : vector<16xi32> to vector<16x1xi32>
      %gather3A_276 = vector.shape_cast %broadcast_in_dim3A_275 : vector<16x1xi32> to vector<16xi32>
      %gather3A_277 = tpu.dynamic_gather %add3A_32[%gather3A_276] in [0] : vector<16xf32>, vector<16xi32> -> vector<16xf32>
      %add3A_278 = arith.addf %add3A_214, %gather3A_277 : vector<16xf32>
      %get3A_279 = arith.index_cast %add3A_218 : i32 to index
      %get3A_280 = arith.constant 64 : index
      %get3A_281 = tpu.vector_load %arg6[%get3A_279, %get3A_280] {strides = array<i32>} : memref<200x128xi32, #tpu.memory_space<vmem>>, vector<1x16xi32>,
      %get3A_282 = vector.shape_cast %get3A_281 : vector<1x16xi32> to vector<16xi32>
      %lt3A_283 = arith.constant 0 : i32
      %lt3A_284 = vector.broadcast %lt3A_283 : i32 to vector<16xi32>
      %lt3A_285 = arith.cmpi slt, %get3A_282, %lt3A_284 : vector<16xi32>
      %add3A_286 = arith.constant 16 : i32
      %add3A_287 = vector.broadcast %add3A_286 : i32 to vector<16xi32>
      %add3A_288 = arith.addi %get3A_282, %add3A_287 : vector<16xi32>
      %select_n3A_289 = arith.select %lt3A_285, %add3A_288, %get3A_282 : vector<16xi1>, vector<16xi32>
      %broadcast_in_dim3A_290 = vector.shape_cast %select_n3A_289 : vector<16xi32> to vector<16x1xi32>
      %gather3A_291 = vector.shape_cast %broadcast_in_dim3A_290 : vector<16x1xi32> to vector<16xi32>
      %gather3A_292 = tpu.dynamic_gather %add3A_32[%gather3A_291] in [0] : vector<16xf32>, vector<16xi32> -> vector<16xf32>
      %add3A_293 = arith.addf %add3A_233, %gather3A_292 : vector<16xf32>
      %get3A_294 = arith.index_cast %add3A_218 : i32 to index
      %get3A_295 = arith.constant 80 : index
      %get3A_296 = tpu.vector_load %arg6[%get3A_294, %get3A_295] {strides = array<i32>} : memref<200x128xi32, #tpu.memory_space<vmem>>, vector<1x16xi32>,
      %get3A_297 = vector.shape_cast %get3A_296 : vector<1x16xi32> to vector<16xi32>
      %lt3A_298 = arith.constant 0 : i32
      %lt3A_299 = vector.broadcast %lt3A_298 : i32 to vector<16xi32>
      %lt3A_300 = arith.cmpi slt, %get3A_297, %lt3A_299 : vector<16xi32>
      %add3A_301 = arith.constant 16 : i32
      %add3A_302 = vector.broadcast %add3A_301 : i32 to vector<16xi32>
      %add3A_303 = arith.addi %get3A_297, %add3A_302 : vector<16xi32>
      %select_n3A_304 = arith.select %lt3A_300, %add3A_303, %get3A_297 : vector<16xi1>, vector<16xi32>
      %broadcast_in_dim3A_305 = vector.shape_cast %select_n3A_304 : vector<16xi32> to vector<16x1xi32>
      %gather3A_306 = vector.shape_cast %broadcast_in_dim3A_305 : vector<16x1xi32> to vector<16xi32>
      %gather3A_307 = tpu.dynamic_gather %add3A_32[%gather3A_306] in [0] : vector<16xf32>, vector<16xi32> -> vector<16xf32>
      %add3A_308 = arith.addf %add3A_248, %gather3A_307 : vector<16xf32>
      %get3A_309 = arith.index_cast %add3A_218 : i32 to index
      %get3A_310 = arith.constant 96 : index
      %get3A_311 = tpu.vector_load %arg6[%get3A_309, %get3A_310] {strides = array<i32>} : memref<200x128xi32, #tpu.memory_space<vmem>>, vector<1x16xi32>,
      %get3A_312 = vector.shape_cast %get3A_311 : vector<1x16xi32> to vector<16xi32>
      %lt3A_313 = arith.constant 0 : i32
      %lt3A_314 = vector.broadcast %lt3A_313 : i32 to vector<16xi32>
      %lt3A_315 = arith.cmpi slt, %get3A_312, %lt3A_314 : vector<16xi32>
      %add3A_316 = arith.constant 16 : i32
      %add3A_317 = vector.broadcast %add3A_316 : i32 to vector<16xi32>
      %add3A_318 = arith.addi %get3A_312, %add3A_317 : vector<16xi32>
      %select_n3A_319 = arith.select %lt3A_315, %add3A_318, %get3A_312 : vector<16xi1>, vector<16xi32>
      %broadcast_in_dim3A_320 = vector.shape_cast %select_n3A_319 : vector<16xi32> to vector<16x1xi32>
      %gather3A_321 = vector.shape_cast %broadcast_in_dim3A_320 : vector<16x1xi32> to vector<16xi32>
      %gather3A_322 = tpu.dynamic_gather %add3A_32[%gather3A_321] in [0] : vector<16xf32>, vector<16xi32> -> vector<16xf32>
      %add3A_323 = arith.addf %add3A_263, %gather3A_322 : vector<16xf32>
      %get3A_324 = arith.index_cast %add3A_218 : i32 to index
      %get3A_325 = arith.constant 112 : index
      %get3A_326 = tpu.vector_load %arg6[%get3A_324, %get3A_325] {strides = array<i32>} : memref<200x128xi32, #tpu.memory_space<vmem>>, vector<1x16xi32>,
      %get3A_327 = vector.shape_cast %get3A_326 : vector<1x16xi32> to vector<16xi32>
      %lt3A_328 = arith.constant 0 : i32
      %lt3A_329 = vector.broadcast %lt3A_328 : i32 to vector<16xi32>
      %lt3A_330 = arith.cmpi slt, %get3A_327, %lt3A_329 : vector<16xi32>
      %add3A_331 = arith.constant 16 : i32
      %add3A_332 = vector.broadcast %add3A_331 : i32 to vector<16xi32>
      %add3A_333 = arith.addi %get3A_327, %add3A_332 : vector<16xi32>
      %select_n3A_334 = arith.select %lt3A_330, %add3A_333, %get3A_327 : vector<16xi1>, vector<16xi32>
      %broadcast_in_dim3A_335 = vector.shape_cast %select_n3A_334 : vector<16xi32> to vector<16x1xi32>
      %gather3A_336 = vector.shape_cast %broadcast_in_dim3A_335 : vector<16x1xi32> to vector<16xi32>
      %gather3A_337 = tpu.dynamic_gather %add3A_32[%gather3A_336] in [0] : vector<16xf32>, vector<16xi32> -> vector<16xf32>
      %add3A_338 = arith.addf %add3A_278, %gather3A_337 : vector<16xf32>
      scf.yield %add3A_293, %add3A_308, %add3A_323, %add3A_338 : vector<16xf32>, vector<16xf32>, vector<16xf32>, vector<16xf32>
    }
    %scan3A_82 = arith.constant 100 : i32
    %add3A_83 = arith.addf %scan3A_81#0, %scan3A_81#1 : vector<16xf32>
    %add3A_84 = arith.addf %add3A_83, %scan3A_81#2 : vector<16xf32>
    %add3A_85 = arith.addf %add3A_84, %scan3A_81#3 : vector<16xf32>
    %swap3A = arith.constant 0 : index
    %swap3A_86 = tpu.vector_load %arg8[%swap3A] {strides = array<i32>} : memref<16xf32, #tpu.memory_space<vmem>>, vector<16xf32>,
    %swap3A_87 = vector.shape_cast %swap3A_86 : vector<16xf32> to vector<16xf32>
    %swap3A_88 = vector.shape_cast %add3A_85 : vector<16xf32> to vector<16xf32>
    tpu.vector_store %arg8[%swap3A], %swap3A_88 {strides = array<i32>} : memref<16xf32, #tpu.memory_space<vmem>>, vector<16xf32>,
    "tpu.region"() ({
      %run_scoped3A = tpu.sem_alloc : memref<!tpu.dma_semaphore, #tpu.memory_space<semaphore_mem>>
      %dma_start3A_89 = arith.constant 0 : i32
      %dma_start3A_90 = tpu.memref_slice %arg4[%add3A, %dma_start3A_89] : memref<32x16xf32, #tpu.memory_space<hbm>> -> memref<1x16xf32, #tpu.memory_space<hbm>>
      %dma_start3A_91 = tpu.memref_squeeze %dma_start3A_90 : memref<1x16xf32, #tpu.memory_space<hbm>> -> memref<16xf32, #tpu.memory_space<hbm>>
      %dma_start3A_92 = arith.constant 0 : i32
      %dma_start3A_93 = tpu.memref_slice %arg4[%add3A, %dma_start3A_92] : memref<32x16xf32, #tpu.memory_space<hbm>> -> memref<1x16xf32, #tpu.memory_space<hbm>>
      %dma_start3A_94 = tpu.memref_squeeze %dma_start3A_93 : memref<1x16xf32, #tpu.memory_space<hbm>> -> memref<16xf32, #tpu.memory_space<hbm>>
      tpu.enqueue_dma source(%arg8 : memref<16xf32, #tpu.memory_space<vmem>>) target(%dma_start3A_94 : memref<16xf32, #tpu.memory_space<hbm>>) target_semaphore(%run_scoped3A : memref<!tpu.dma_semaphore, #tpu.memory_space<semaphore_mem>>)
      %dma_wait3A_95 = arith.constant 0 : i32
      %dma_wait3A_96 = tpu.memref_slice %arg4[%add3A, %dma_wait3A_95] : memref<32x16xf32, #tpu.memory_space<hbm>> -> memref<1x16xf32, #tpu.memory_space<hbm>>
      %dma_wait3A_97 = tpu.memref_squeeze %dma_wait3A_96 : memref<1x16xf32, #tpu.memory_space<hbm>> -> memref<16xf32, #tpu.memory_space<hbm>>
      %dma_wait3A_98 = arith.constant 0 : i32
      %dma_wait3A_99 = tpu.memref_slice %arg4[%add3A, %dma_wait3A_98] : memref<32x16xf32, #tpu.memory_space<hbm>> -> memref<1x16xf32, #tpu.memory_space<hbm>>
      %dma_wait3A_100 = tpu.memref_squeeze %dma_wait3A_99 : memref<1x16xf32, #tpu.memory_space<hbm>> -> memref<16xf32, #tpu.memory_space<hbm>>
      tpu.wait_dma2 semaphore(%run_scoped3A : memref<!tpu.dma_semaphore, #tpu.memory_space<semaphore_mem>>) src(%arg8 : memref<16xf32, #tpu.memory_space<vmem>>) dst(%dma_wait3A_100 : memref<16xf32, #tpu.memory_space<hbm>>)
      tpu.yield
    }) : () -> ()
    return
  }
}

module attributes {stable_mosaic.version = 14 : i64} {
  func.func @_sum_body(%arg0: memref<32x16xf32, #tpu.memory_space<vmem>>, %arg1: memref<1x1xf32, #tpu.memory_space<vmem>>) attributes {dimension_semantics = [], scalar_prefetch = 0 : i64, scratch_operands = 0 : i64, tpu.core_type = #tpu.core_type<tc>} {
    %get3A = arith.constant 0 : index
    %get3A_0 = arith.constant 0 : index
    %get3A_1 = vector.load %arg0[%get3A, %get3A_0] : memref<32x16xf32, #tpu.memory_space<vmem>>, vector<32x16xf32>
    %reduce_sum3A = vector.shape_cast %get3A_1 : vector<32x16xf32> to vector<1x32x16xf32>
    %reduce_sum3A_2 = arith.constant dense<0.000000e+00> : vector<1xf32>
    %reduce_sum3A_3 = vector.multi_reduction <add>, %reduce_sum3A, %reduce_sum3A_2 [1, 2] : vector<1x32x16xf32> to vector<1xf32>
    %reduce_sum3A_4 = vector.shape_cast %reduce_sum3A_3 : vector<1xf32> to vector<1x1x1xf32>
    %reduce_sum3A_5 = vector.extract %reduce_sum3A_4[0, 0, 0] : f32 from vector<1x1x1xf32>
    %broadcast_in_dim3A = vector.broadcast %reduce_sum3A_5 : f32 to vector<1x1xf32>
    %swap3A = arith.constant 0 : index
    %swap3A_6 = arith.constant 0 : index
    %swap3A_7 = vector.load %arg1[%swap3A, %swap3A_6] : memref<1x1xf32, #tpu.memory_space<vmem>>, vector<1x1xf32>
    tpu.vector_store %arg1[%swap3A, %swap3A_6], %broadcast_in_dim3A {strides = array<i32>} : memref<1x1xf32, #tpu.memory_space<vmem>>, vector<1x1xf32>,
    return
  }
}

</mosaic_0001>

<sc_bundles>
// kernel: kernel.4.cloned.1.call-start
scs
__scs_entry_jumppad:
0x0: {  	(pc) =	sbr.rel $0x88, $3  }
0x1: {  	(tag) =	ssettag $0x0;
	lr =	simm.s32 $0x1  }
0x2: {  	[smem:$0x3F9F] =	sst lr;
	_ =	strace $0xD0000000  }
0x3: {  	_ = 	snop  }
0x4: {  	_ = 	snop  }
0x5: {  	_ = 	snop  }
0x6: {  	_ = 	snop  }
0x7: {  	_ = 	snop  }
__scs_overlays_trampoline_lowered:
0x8: {  	[smem:$0x3FAE] =	sst s0  }
0x9: {  	[smem:$0x3FAF] =	sst s1  }
0xa: {  	[smem:$0x3FB0] =	sst s2  }
0xb: {  	[smem:$0x3FB1] =	sst s3  }
0xc: {  	[smem:$0x3FB2] =	sst s4  }
0xd: {  	[smem:$0x3FB3] =	sst s5  }
0xe: {  	[smem:$0x3FB4] =	sst s6  }
0xf: {  	[smem:$0x3FB5] =	sst s7  }
0x10: {  	[smem:$0x3FB6] =	sst s8  }
0x11: {  	[smem:$0x3FB7] =	sst s9;
	s0 =	simm.s32 @!p0 $0x0  }
0x12: {  	s1 =	sld [smem:$0x3F9D];
	s0 =	simm.s32 @p0 $0x1  }
0x13: {  	[smem:$0x3FB8] =	sst s0;
	s0 =	simm.s32 @!p1 $0x0  }
0x14: {  	s2 =	sld [smem:$0x3F9C];
	s0 =	simm.s32 @p1 $0x1  }
0x15: {  	[smem:$0x3FB9] =	sst s0;
	s0 =	simm.s32 @!p2 $0x0  }
0x16: {  	s3 =	sld [smem:$0x3FDB];
	s0 =	simm.s32 @p2 $0x1  }
0x17: {  	s4 =	simm.s32 $0x1BF5;
	[smem:$0x3FBB] =	sst s0  }
0x18: {  	s0 =	sld [smem:$0x3F9E];
	_ =	swait.ge [sflag:s4], $0x0  }
0x19: {  	s7 =	sld [smem:$0x3F9F]  }
0x1a: {  	s8 =	sadd.s32 $0xFFFFE003, lr  }
0x1b: {  	s9 =	sadd.s32 $0xFFFFFEF7, lr;
	s5 =	simm.s32 $0xFFFFFFFF;
	p2 =	slt.u32 s8, $0xFFFFF086  }
0x1c: {  	p1 =	slt.u32 s9, $0xF7A;
	s5 =	simm.s32 @!p2 $0x0  }
0x1d: {  	s5 =	simm.s32 @p1 $0x1;
	p0 =	seq.s32 s7, s2  }
0x1e: {  	s7 =	smul.u32 @!p0 $0xF7A, s2;
	p2 =	seq.s32 @!p0 s5, $0x0  }
0x1f: {  	s9 =	smul.u32 $0xF7A, s1;
	s8 =	simm.s32 @!p0 $0x1BF5;
	p2 =	por !p2, p0  }
0x20: {  	[sflag:s8] =	ssyncset.s32 @!p0 $0xFFFFF086;
	s6 =	sadd.s32 @!p0 s3, s7;
	s7 =	simm.s32 @!p0 $0x108  }
0x21: {  	s3 =	sadd.s32 s3, s9;
	s6 =	sadd.s32 @!p0 $0x88, s6;
	s7 =	simm.s32 @p2 $0x1082  }
0x22: {  	[simem:s7], [sflag:s8] =	dma.local @!p0 [hbm:s6], $0xF7A  }
0x23: {  	s9 =	sor.u32 $0xD0000000, s2;
	s6 =	simm.s32 $0x108;
	_ =	swait.ge @!p0 [sflag:s8], $0x0  }
0x24: {  	s3 =	sadd.s32 $0x88, s3;
	s6 =	simm.s32 @!p1 $0x1082;
	[sflag:s4] =	ssyncset.s32 $0xFFFFF086  }
0x25: {  	[simem:s6], [sflag:s4] =	dma.local [hbm:s3], $0xF7A  }
0x26: {  	[smem:$0x3F9F] =	sst s1;
	(tag) =	ssettag s2;
	_ =	strace s9  }
0x27: {  	s1 =	sld [smem:$0x3FAF]  }
0x28: {  	s2 =	sld [smem:$0x3FB0]  }
0x29: {  	s4 =	sld [smem:$0x3FB2]  }
0x2a: {  	p0 =	seq.s32 s5, $0x0;
	s5 =	sld [smem:$0x3FB3]  }
0x2b: {  	s6 =	sld [smem:$0x3FB4]  }
0x2c: {  	s7 =	sld [smem:$0x3FB5]  }
0x2d: {  	s3 =	simm.s32 $0x108;
	s8 =	sld [smem:$0x3FB6]  }
0x2e: {  	s3 =	simm.s32 @!p0 $0x1082;
	s9 =	sld [smem:$0x3FB7]  }
0x2f: {  	lr =	sadd.s32 s0, s3;
	s0 =	sld [smem:$0x3FAE]  }
0x30: {  	s3 =	sld [smem:$0x3FB1]  }
0x31: {  	[smem:$0x3FBA] =	sst s10  }
0x32: {  	s10 =	sld [smem:$0x3FB8];
	_ =	sdelay $0x3  }
0x33: {  	p0 =	seq.s32 s10, $0x1;
	s10 =	sld [smem:$0x3FBA];
	_ =	sdelay $0x3  }
0x34: {  	[smem:$0x3FBA] =	sst s10  }
0x35: {  	s10 =	sld [smem:$0x3FB9];
	_ =	sdelay $0x3  }
0x36: {  	p1 =	seq.s32 s10, $0x1;
	s10 =	sld [smem:$0x3FBA];
	_ =	sdelay $0x3  }
0x37: {  	[smem:$0x3FBA] =	sst s10  }
0x38: {  	s10 =	sld [smem:$0x3FBB]  }
0x39: {  	_ = 	snop;
	(pc) =	sbr.ind lr, $3  }
0x3a: {  	_ = 	snop  }
0x3b: {  	_ = 	snop  }
0x3c: {  	p2 =	seq.s32 s10, $0x1;
	s10 =	sld [smem:$0x3FBA]  }
0x3d: {  	_ =	shalt  }
0x3e: {  	_ =	shalt  }
0x3f: {  	_ =	shalt  }
0x40: {  	_ =	shalt  }
0x41: {  	_ =	shalt  }
0x42: {  	_ =	shalt  }
0x43: {  	_ =	shalt  }
0x44: {  	_ =	shalt  }
0x45: {  	_ =	shalt  }
0x46: {  	_ =	shalt  }
0x47: {  	_ =	shalt  }
0x48: {  	_ =	shalt  }
0x49: {  	_ =	shalt  }
0x4a: {  	_ =	shalt  }
0x4b: {  	_ =	shalt  }
0x4c: {  	_ =	shalt  }
0x4d: {  	_ =	shalt  }
0x4e: {  	_ =	shalt  }
0x4f: {  	_ =	shalt  }
0x50: {  	_ =	shalt  }
0x51: {  	_ =	shalt  }
0x52: {  	_ =	shalt  }
0x53: {  	_ =	shalt  }
0x54: {  	_ =	shalt  }
0x55: {  	_ =	shalt  }
0x56: {  	_ =	shalt  }
0x57: {  	_ =	shalt  }
0x58: {  	_ =	shalt  }
0x59: {  	_ =	shalt  }
0x5a: {  	_ =	shalt  }
0x5b: {  	_ =	shalt  }
0x5c: {  	_ =	shalt  }
0x5d: {  	_ =	shalt  }
0x5e: {  	_ =	shalt  }
0x5f: {  	_ =	shalt  }
0x60: {  	_ =	shalt  }
0x61: {  	_ =	shalt  }
0x62: {  	_ =	shalt  }
0x63: {  	_ =	shalt  }
0x64: {  	_ =	shalt  }
0x65: {  	_ =	shalt  }
0x66: {  	_ =	shalt  }
0x67: {  	_ =	shalt  }
0x68: {  	_ =	shalt  }
0x69: {  	_ =	shalt  }
0x6a: {  	_ =	shalt  }
0x6b: {  	_ =	shalt  }
0x6c: {  	_ =	shalt  }
0x6d: {  	_ =	shalt  }
0x6e: {  	_ =	shalt  }
0x6f: {  	_ =	shalt  }
0x70: {  	_ =	shalt  }
0x71: {  	_ =	shalt  }
0x72: {  	_ =	shalt  }
0x73: {  	_ =	shalt  }
0x74: {  	_ =	shalt  }
0x75: {  	_ =	shalt  }
0x76: {  	_ =	shalt  }
0x77: {  	_ =	shalt  }
0x78: {  	_ =	shalt  }
0x79: {  	_ =	shalt  }
0x7a: {  	_ =	shalt  }
0x7b: {  	_ =	shalt  }
0x7c: {  	_ =	shalt  }
0x7d: {  	_ =	shalt  }
0x7e: {  	_ =	shalt  }
0x7f: {  	_ =	shalt  }
0x80: {  	_ =	shalt  }
0x81: {  	_ =	shalt  }
0x82: {  	_ =	shalt  }
0x83: {  	_ =	shalt  }
0x84: {  	_ =	shalt  }
0x85: {  	_ =	shalt  }
0x86: {  	_ =	shalt  }
0x87: {  	_ =	shalt  }
.Lfunc_end0:
.L_simem_size_0:
called_computation_lowered:
.L_overlay_start_0:
0x88: {  	s2 =	sld [smem:$0x3FD9]  }
0x89: {  	s3 =	sld [smem:$0x3FFE];
	_ =	sdelay $0x1  }
0x8a: {  	s1 =	srdreg.scid  }
0x8b: {  	s0 =	sand.u32 $0x1, s1  }
0x8c: {  	s17 =	sshll.u32 s0, $0xA;
	s2 =	sadd.s32 s3, s2  }
0x8d: {  	s2 =	sadd.s32 s2, s17  }
0x8e: {  	[smem:$0x3FC6] =	sst s2  }
0x8f: {  	_ = 	snop  }
0x90: {  	s2 =	sld [smem:$0x3FC9];
	(tm) =	ssettm $0x1  }
0x91: {  	s18 =	sld [smem:$0x3FFB];
	_ =	sdelay $0x3  }
0x92: {  	_ =	strace s18  }
0x93: {  	s3 =	sld [smem:$0x3FFC];
	_ =	sdelay $0x3  }
0x94: {  	_ =	strace s3  }
0x95: {  	s3 =	sld [smem:$0x3FFD];
	_ =	sdelay $0x3  }
0x96: {  	_ =	strace s3  }
0x97: {  	_ =	strace $0x8FFFFFFF  }
0x98: {  	s19 =	sld [smem:$0x3FDB];
	_ =	sdelay $0x1  }
0x99: {  	s4 =	simm.s32 $_scs_section_size  }
0x9a: {  	s5 =	simm.s32 $_size__tile_overlayer_lowered;
	s6 =	simm.s32 $_tile_overlayer_lowered  }
0x9b: {  	s22 =	simm.s32 $0x1BFF;
	s21 =	sshll.u32 s6, $0x1;
	s3 =	sadd.s32 s4, s19  }
0x9c: {  	s7 =	simm.s32 $0x0;
	s20 =	sshll.u32 s5, $0x1;
	s5 =	sadd.s32 s21, s3  }
0x9d: {  	[timem:s7], [sflag:s22] =	dma.local [hbm:s5], s20  }
0x9e: {  	_ =	swait.ge [sflag:s22], s20  }
0x9f: {  	s4 =	ssub.s32 $0x0, s20;
	[sflag:s22] =	ssyncset.done $0x0  }
0xa0: {  	[sflag:s22] =	ssyncadd.s32 s4;
	_ =	sdelay $0x1  }
0xa1: {  	s23 =	simm.s32 $0x1B8B  }
0xa2: {  	_ =	swait.ge [sflag:s23], $0x1  }
0xa3: {  	[sflag:s23] =	ssyncset.done $0x0  }
0xa4: {  	s25 =	simm.s32 $0x1B8E;
	s24 =	sld [smem:$0x3FFE];
	[sflag:s23] =	ssyncadd.s32 $0xFFFFFFFF  }
0xa5: {  	s26 =	simm.s32 $execute0_lowered;
	[smem:$0x3FD2] =	sst s25  }
0xa6: {  	s5 =	sshll.u32 s26, $0x1;
	_ =	strace $0x80000046;
	[dreg:$0x1] =	wrdreg $0xFFFFFFFF  }
0xa7: {  	s28 =	simm.s32 $_size_execute0_lowered;
	s3 =	sadd.s32 s3, s5;
	[dreg:$0x0] =	wrdreg $0x0  }
0xa8: {  	s5 =	sshll.u32 s28, $0x1;
	[dreg:$0x2] =	wrdreg s3  }
0xa9: {  	[dreg:$0x3] =	wrdreg s5  }
0xaa: {  	[dreg:$0x4] =	wrdreg $0xC0  }
0xab: {  	_ =	task [dreg:s7], $0x5FFFF  }
0xac: {  	[dreg:$0x1] =	wrdreg $0xFFFFFFFF  }
0xad: {  	[dreg:$0x0] =	wrdreg $0x60  }
0xae: {  	[dreg:$0x2] =	wrdreg s2  }
0xaf: {  	[dreg:$0x3] =	wrdreg s24  }
0xb0: {  	[dreg:$0x4] =	wrdreg $0x9  }
0xb1: {  	_ =	task.clear_ibuf [dreg:s7], $0x5FFFF;
	_ =	strace $0x90000046  }
0xb2: {  	s29 =	simm.s32 $0x9;
	_ =	strace $0x80000048  }
0xb3: {  	_ =	swait.ge [sflag:s29], $0x1  }
0xb4: {  	[sflag:s29] =	ssyncadd.s32 $0xFFFFFFFF  }
0xb5: {  	_ =	strace $0x90000048  }
0xb6: {  	_ =	sfence  }
0xb7: {  	s30 =	sld [smem:$0x0];
	_ =	sdelay $0x2  }
0xb8: {  	s31 =	sshll.u32 s1, $0xD;
	s1 =	sshrl.u32 s1, $0x2  }
0xb9: {  	s3 =	sand.u32 $0x4000, s31;
	s1 =	sadd.s32 s1, s30  }
0xba: {  	s0 =	sor.u32 s3, s0;
	s1 =	sshll.u32 s1, $0x11  }
0xbb: {  	s0 =	sor.u32 s1, s0  }
0xbc: {  	s0 =	sadd.s32 $0x8F2B, s0  }
0xbd: {  	[sflag:s0] =	ssyncadd.remote.s32 $0x1  }
0xbe: {  	_ =	sfence.sel $0xFFFF  }
0xbf: {  	[dreg:$0x0] =	wrdreg $0xFFFFFFFF;
	(pc) =	sbr.abs _section_cstart, $3  }
0xc0: {  	[dreg:$0x1] =	wrdreg $0xFFFFFFFF  }
0xc1: {  	_ =	task.clear_ibuf [dreg:s7], $0x2FFFF;
	_ =	strace $0x9FFFFFFF  }
0xc2: {  	(tm) =	ssettm $0x7FFFFFFF  }
0xc3: {  	_ =	shalt  }
tec
execute0_lowered:
.L_overlay_start_1:
0x0: {  	(tag) =	ssettag $0x1  }
0x1: {  	s4 =	rddreg [dreg:$0x0]  }
0x2: {  	s5 =	rddreg [dreg:$0x1]  }
0x3: {  	s0 =	rddreg [dreg:$0x2]  }
0x4: {  	s2 =	simm.s32 $0x0;
	s3 =	srdreg.scid;
	s1 =	stileid.u32  }
0x5: {  	s10 =	simm.s32 $0x400;
	s11 =	simm.s32 $0x20000;
	s12 =	simm.s32 $0x6400  }
0x6: {  	s13 =	simm.s32 $0xC800;
	s14 =	simm.s32 $0x3;
	s15 =	simm.s32 $0x1  }
0x7: {  	s16 =	simm.s32 $0x2;
	s17 =	simm.s32 $0xC900;
	s18 =	simm.s32 $0x0  }
0x8: {  	[smem:$0x7FF] =	sst s2;
	s6 =	sand.u32 $0x1, s3;
	s7 =	sshll.u32 s1, $0x1  }
0x9: {  	s3 =	sadd.s32 $0x600, s5;
	_ =	strace $0x80000047;
	s7 =	sor.u32 s6, s7  }
0xa: {  	s6 =	ssub.s32 $0x2, s6;
	s8 =	sshll.u32 s7, $0x4;
	s7 =	sshll.u32 s7, $0x9  }
0xb: {  	s31 =	sshrl.u32 s6, $0x1;
	s8 =	sadd.s32 s8, s5;
	s4 =	sadd.s32 s4, s7  }
0xc: {  	s9 =	ssub.s32 s6, s31;
	s5 =	sadd.s32 $0x80, s4;
	s6 =	sadd.s32 $0x100, s4  }
0xd: {  	s7 =	sadd.s32 $0x180, s4;
	s8 =	sadd.s32 $0x800, s8;
	s9 =	smax.u32 s9, $0x1  }
.LBB2_1:
0xe: {  	[tilespmem:s2], [sflag:$0x1] =	stream.strided.gather [hbm4b:s4+s10], $0x6400, s11, s10, $0x38;
	[tilespmem:$0xC980] =	vst v63  }
0xf: {  	_ = 	snop  }
0x10: {  	[tilespmem:s12], [sflag:$0x2] =	stream.strided.gather [hbm4b:s5+s10], $0x6400, s11, s10, $0x38;
	[tilespmem:$0xC980] =	vst v63  }
0x11: {  	_ = 	snop  }
0x12: {  	[tilespmem:s13], [sflag:$0x3] =	stream.linear.gather [hbm4b:s3+s2], $0x100, $0x38;
	[tilespmem:$0xC980] =	vst v63  }
0x13: {  	_ =	swait.ge [sflag:s14], $0x100  }
0x14: {  	[sflag:s14] =	ssyncset.done $0x0  }
0x15: {  	[sflag:s14] =	ssyncadd.s32 $0xFFFFFF00  }
0x16: {  	v0 =	vld [tilespmem:$0xC800]  }
0x17: {  	v2 =	vld [tilespmem:$0xC810]  }
0x18: {  	v3 =	vld [tilespmem:$0xC820]  }
0x19: {  	v5 =	vld [tilespmem:$0xC830]  }
0x1a: {  	v9 =	vld [tilespmem:$0xC840];
	_ =	swait.ge [sflag:s15], $0x6400  }
0x1b: {  	[sflag:s15] =	ssyncset.done $0x0  }
0x1c: {  	s19 =	simm.s32 $0x0;
	[sflag:s15] =	ssyncadd.s32 $0xFFFF9C00  }
0x1d: {  	v1 =	vld [tilespmem:s19+$0xC0]  }
0x1e: {  	v4 =	vld [tilespmem:s19+$0xD0]  }
0x1f: {  	v6 =	vld [tilespmem:s19+$0x90];
	v0 =	vadd.f32 v2, v0  }
0x20: {  	v7 =	vld [tilespmem:s19+$0x40]  }
0x21: {  	v8 =	vld [tilespmem:s19+$0x50];
	v0 =	vadd.f32 v3, v0  }
0x22: {  	v12 =	vld [tilespmem:s19+$0x0]  }
0x23: {  	v2 =	vld [tilespmem:s19+$0x80];
	v0 =	vadd.f32 v5, v0  }
0x24: {  	v10 =	vimm.f32 $0.0e+00;
	v13 =	vld [tilespmem:s19+$0x10];
	v3 =	vimm.f32 $0.0e+00  }
0x25: {  	s20 =	simm.s32 $0x400;
	v11 =	vld [tilespmem:s19+$0x20];
	v5 =	vimm.f32 $0.0e+00;
	v0 =	vadd.f32 v9, v0;
	v9 =	vimm.f32 $0.0e+00  }
.LBB2_2:
0x26: {  	p0 =	sne.s32 s20, $0x18C00;
	v14 =	vld [tilespmem:s19+$0x30]  }
0x27: {  	v16 =	vperm.xlane v0, v1;
	v17 =	vperm.xlane v0, v4;
	v15 =	vld [tilespmem:s19+$0x60]  }
0x28: {  	v18 =	vperm.xlane v0, v2;
	v19 =	vperm.xlane v0, v6;
	v4 =	vld [tilespmem:s19+$0x70]  }
0x29: {  	v2 =	vperm.xlane v0, v7;
	v6 =	vperm.xlane v0, v8;
	v7 =	vld [tilespmem:s19+$0xA0]  }
0x2a: {  	v1 =	vperm.xlane v0, v12;
	v8 =	vperm.xlane v0, v13;
	v12 =	vld [tilespmem:s19+$0xB0]  }
0x2b: {  	v11 =	vperm.xlane v0, v11;
	v13 =	vperm.xlane v0, v14;
	v14 =	vld [tilespmem:s19+$0xE0]  }
0x2c: {  	v10 =	vadd.f32 v1, v10;
	v8 =	vadd.f32 v8, v9;
	v9 =	vperm.xlane v0, v15;
	v15 =	vld [tilespmem:s19+$0xF0];
	s19 =	sshra.s32 s20, $0x2  }
0x2d: {  	v5 =	vadd.f32 v11, v5;
	v1 =	vld [tilespmem:s19+$0xC0];
	v3 =	vadd.f32 v13, v3;
	v11 =	vperm.xlane v0, v4  }
0x2e: {  	v10 =	vadd.f32 v2, v10;
	v8 =	vadd.f32 v6, v8;
	v4 =	vld [tilespmem:s19+$0xD0];
	v13 =	vperm.xlane v0, v7  }
0x2f: {  	v5 =	vadd.f32 v9, v5;
	v2 =	vld [tilespmem:s19+$0x80];
	v3 =	vadd.f32 v11, v3;
	v9 =	vperm.xlane v0, v12  }
0x30: {  	v10 =	vadd.f32 v18, v10;
	v11 =	vadd.f32 v19, v8;
	v6 =	vld [tilespmem:s19+$0x90];
	v14 =	vperm.xlane v0, v14  }
.Ltmp0:
0x31: {  	v5 =	vadd.f32 v13, v5;
	v7 =	vld [tilespmem:s19+$0x40];
	v3 =	vadd.f32 v9, v3;
	v13 =	vperm.xlane v0, v15;
	(pc) =	sbr.rel @p0 .LBB2_2-.Ltmp0, $4  }
0x32: {  	v10 =	vadd.f32 v16, v10;
	v9 =	vadd.f32 v17, v11;
	v8 =	vld [tilespmem:s19+$0x50]  }
0x33: {  	v5 =	vadd.f32 v14, v5;
	v12 =	vld [tilespmem:s19+$0x0];
	v3 =	vadd.f32 v13, v3  }
0x34: {  	v13 =	vld [tilespmem:s19+$0x10]  }
0x35: {  	s20 =	sadd.s32 $0x400, s20;
	v11 =	vld [tilespmem:s19+$0x20]  }
0x36: {  	v14 =	vld [tilespmem:s19+$0x30]  }
0x37: {  	v15 =	vld [tilespmem:s19+$0x60]  }
0x38: {  	v16 =	vld [tilespmem:s19+$0x70]  }
0x39: {  	v17 =	vld [tilespmem:s19+$0xA0]  }
0x3a: {  	v18 =	vld [tilespmem:s19+$0xB0]  }
0x3b: {  	v19 =	vld [tilespmem:s19+$0xE0];
	s31 =	simm.s32 $0x0  }
0x3c: {  	v20 =	vld [tilespmem:s19+$0xF0];
	v21 =	vperm.xlane v0, v1;
	[tilespmem:s31], [sflag:$0x1] =	stream.strided.gather [hbm4b:s6+s10], $0x6400, s11, s10, $0x38  }
0x3d: {  	v7 =	vperm.xlane v0, v7;
	v1 =	vperm.xlane v0, v12;
	_ =	swait.ge [sflag:s16], $0x6400  }
0x3e: {  	v12 =	vperm.xlane v0, v4;
	v4 =	vperm.xlane v0, v13;
	[sflag:s16] =	ssyncset.done $0x0  }
0x3f: {  	s19 =	simm.s32 $0x0;
	v13 =	vperm.xlane v0, v2;
	v2 =	vperm.xlane v0, v11;
	[sflag:s16] =	ssyncadd.s32 $0xFFFF9C00  }
0x40: {  	v10 =	vadd.f32 v1, v10;
	v11 =	vperm.xlane v0, v6;
	v6 =	vperm.xlane v0, v14;
	v1 =	vld [tilespmem:s19+$0x64C0]  }
0x41: {  	v8 =	vperm.xlane v0, v8;
	v4 =	vadd.f32 v4, v9;
	v5 =	vadd.f32 v2, v5;
	v2 =	vld [tilespmem:s19+$0x64D0]  }
0x42: {  	v9 =	vperm.xlane v0, v15;
	v14 =	vperm.xlane v0, v16;
	v6 =	vadd.f32 v6, v3;
	v3 =	vld [tilespmem:s19+$0x6480]  }
0x43: {  	v15 =	vperm.xlane v0, v18;
	v7 =	vadd.f32 v7, v10;
	v8 =	vadd.f32 v8, v4;
	v4 =	vld [tilespmem:s19+$0x6490]  }
0x44: {  	v10 =	vperm.xlane v0, v17;
	v5 =	vadd.f32 v9, v5;
	v9 =	vld [tilespmem:s19+$0x6450];
	v14 =	vadd.f32 v14, v6  }
0x45: {  	v63 =	vperm.xlane v0, v19;
	v7 =	vadd.f32 v13, v7;
	v13 =	vld [tilespmem:s19+$0x6410];
	v8 =	vadd.f32 v11, v8  }
0x46: {  	v6 =	vld [tilespmem:s19+$0x6440];
	v5 =	vadd.f32 v10, v5;
	v14 =	vadd.f32 v15, v14;
	v15 =	vperm.xlane v0, v20  }
0x47: {  	v11 =	vld [tilespmem:s19+$0x6400];
	v10 =	vadd.f32 v21, v7;
	v8 =	vadd.f32 v12, v8  }
0x48: {  	s20 =	simm.s32 $0x400;
	v12 =	vld [tilespmem:s19+$0x6420];
	v7 =	vadd.f32 v63, v5;
	v5 =	vadd.f32 v15, v14  }
.LBB2_4:
0x49: {  	p0 =	sne.s32 s20, $0x18C00;
	v14 =	vld [tilespmem:s19+$0x6430]  }
0x4a: {  	v16 =	vperm.xlane v0, v1;
	v17 =	vperm.xlane v0, v2;
	v15 =	vld [tilespmem:s19+$0x6460]  }
0x4b: {  	v18 =	vperm.xlane v0, v3;
	v19 =	vperm.xlane v0, v4;
	v2 =	vld [tilespmem:s19+$0x6470]  }
0x4c: {  	v3 =	vperm.xlane v0, v6;
	v4 =	vperm.xlane v0, v9;
	v6 =	vld [tilespmem:s19+$0x64A0]  }
0x4d: {  	v1 =	vperm.xlane v0, v11;
	v9 =	vperm.xlane v0, v13;
	v11 =	vld [tilespmem:s19+$0x64B0]  }
0x4e: {  	v12 =	vperm.xlane v0, v12;
	v13 =	vperm.xlane v0, v14;
	v14 =	vld [tilespmem:s19+$0x64E0]  }
0x4f: {  	v10 =	vadd.f32 v1, v10;
	v8 =	vadd.f32 v9, v8;
	v9 =	vperm.xlane v0, v15;
	v15 =	vld [tilespmem:s19+$0x64F0];
	s19 =	sshra.s32 s20, $0x2  }
0x50: {  	v7 =	vadd.f32 v12, v7;
	v1 =	vld [tilespmem:s19+$0x64C0];
	v5 =	vadd.f32 v13, v5;
	v12 =	vperm.xlane v0, v2  }
0x51: {  	v10 =	vadd.f32 v3, v10;
	v8 =	vadd.f32 v4, v8;
	v2 =	vld [tilespmem:s19+$0x64D0];
	v13 =	vperm.xlane v0, v6  }
0x52: {  	v7 =	vadd.f32 v9, v7;
	v3 =	vld [tilespmem:s19+$0x6480];
	v5 =	vadd.f32 v12, v5;
	v9 =	vperm.xlane v0, v11  }
0x53: {  	v10 =	vadd.f32 v18, v10;
	v8 =	vadd.f32 v19, v8;
	v4 =	vld [tilespmem:s19+$0x6490];
	v12 =	vperm.xlane v0, v14  }
.Ltmp1:
0x54: {  	v7 =	vadd.f32 v13, v7;
	v6 =	vld [tilespmem:s19+$0x6440];
	v5 =	vadd.f32 v9, v5;
	v13 =	vperm.xlane v0, v15;
	(pc) =	sbr.rel @p0 .LBB2_4-.Ltmp1, $4  }
0x55: {  	v10 =	vadd.f32 v16, v10;
	v8 =	vadd.f32 v17, v8;
	v9 =	vld [tilespmem:s19+$0x6450]  }
0x56: {  	v7 =	vadd.f32 v12, v7;
	v11 =	vld [tilespmem:s19+$0x6400];
	v5 =	vadd.f32 v13, v5  }
0x57: {  	v13 =	vld [tilespmem:s19+$0x6410]  }
0x58: {  	s20 =	sadd.s32 $0x400, s20;
	v12 =	vld [tilespmem:s19+$0x6420]  }
0x59: {  	v14 =	vld [tilespmem:s19+$0x6430]  }
0x5a: {  	v15 =	vld [tilespmem:s19+$0x6460]  }
0x5b: {  	v16 =	vld [tilespmem:s19+$0x6470]  }
0x5c: {  	v17 =	vld [tilespmem:s19+$0x64A0]  }
0x5d: {  	v18 =	vld [tilespmem:s19+$0x64B0]  }
0x5e: {  	v19 =	vld [tilespmem:s19+$0x64E0]  }
0x5f: {  	v20 =	vld [tilespmem:s19+$0x64F0];
	[tilespmem:s12], [sflag:$0x2] =	stream.strided.gather [hbm4b:s7+s10], $0x6400, s11, s10, $0x38;
	v21 =	vperm.xlane v0, v1  }
0x60: {  	v22 =	vperm.xlane v0, v2;
	v6 =	vperm.xlane v0, v6;
	_ =	swait.ge [sflag:s15], $0x6400  }
0x61: {  	v1 =	vperm.xlane v0, v11;
	[sflag:s15] =	ssyncset.done $0x0;
	v11 =	vperm.xlane v0, v3  }
0x62: {  	s19 =	simm.s32 $0x0;
	v2 =	vperm.xlane v0, v13;
	[sflag:s15] =	ssyncadd.s32 $0xFFFF9C00;
	v3 =	vperm.xlane v0, v12  }
0x63: {  	v10 =	vadd.f32 v1, v10;
	v12 =	vperm.xlane v0, v4;
	v1 =	vld [tilespmem:s19+$0xC0];
	v4 =	vperm.xlane v0, v14  }
0x64: {  	v9 =	vperm.xlane v0, v9;
	v8 =	vadd.f32 v2, v8;
	v2 =	vld [tilespmem:s19+$0xD0];
	v13 =	vperm.xlane v0, v15  }
0x65: {  	v14 =	vperm.xlane v0, v16;
	v7 =	vadd.f32 v3, v7;
	v3 =	vld [tilespmem:s19+$0x80];
	v5 =	vadd.f32 v4, v5  }
0x66: {  	v15 =	vperm.xlane v0, v17;
	v10 =	vadd.f32 v6, v10;
	v6 =	vld [tilespmem:s19+$0x40];
	v8 =	vadd.f32 v9, v8  }
0x67: {  	v4 =	vld [tilespmem:s19+$0x90];
	v7 =	vadd.f32 v13, v7;
	v13 =	vperm.xlane v0, v18;
	v5 =	vadd.f32 v14, v5  }
0x68: {  	v9 =	vld [tilespmem:s19+$0x50];
	v10 =	vadd.f32 v11, v10;
	v8 =	vadd.f32 v12, v8;
	v12 =	vperm.xlane v0, v19  }
0x69: {  	v11 =	vld [tilespmem:s19+$0x0];
	v14 =	vperm.xlane v0, v20;
	v7 =	vadd.f32 v15, v7;
	v5 =	vadd.f32 v13, v5  }
0x6a: {  	v10 =	vadd.f32 v21, v10;
	v8 =	vadd.f32 v22, v8;
	v13 =	vld [tilespmem:s19+$0x10]  }
0x6b: {  	s20 =	simm.s32 $0x400;
	v7 =	vadd.f32 v12, v7;
	v12 =	vld [tilespmem:s19+$0x20];
	v5 =	vadd.f32 v14, v5  }
.LBB2_6:
0x6c: {  	p0 =	sne.s32 s20, $0x18C00;
	v14 =	vld [tilespmem:s19+$0x30]  }
0x6d: {  	v16 =	vperm.xlane v0, v1;
	v17 =	vperm.xlane v0, v2;
	v15 =	vld [tilespmem:s19+$0x60]  }
0x6e: {  	v18 =	vperm.xlane v0, v3;
	v19 =	vperm.xlane v0, v4;
	v2 =	vld [tilespmem:s19+$0x70]  }
0x6f: {  	v3 =	vperm.xlane v0, v6;
	v4 =	vperm.xlane v0, v9;
	v6 =	vld [tilespmem:s19+$0xA0]  }
0x70: {  	v1 =	vperm.xlane v0, v11;
	v9 =	vperm.xlane v0, v13;
	v11 =	vld [tilespmem:s19+$0xB0]  }
0x71: {  	v12 =	vperm.xlane v0, v12;
	v13 =	vperm.xlane v0, v14;
	v14 =	vld [tilespmem:s19+$0xE0]  }
0x72: {  	v10 =	vadd.f32 v1, v10;
	v8 =	vadd.f32 v9, v8;
	v9 =	vperm.xlane v0, v15;
	v15 =	vld [tilespmem:s19+$0xF0];
	s19 =	sshra.s32 s20, $0x2  }
0x73: {  	v7 =	vadd.f32 v12, v7;
	v1 =	vld [tilespmem:s19+$0xC0];
	v5 =	vadd.f32 v13, v5;
	v12 =	vperm.xlane v0, v2  }
0x74: {  	v10 =	vadd.f32 v3, v10;
	v8 =	vadd.f32 v4, v8;
	v2 =	vld [tilespmem:s19+$0xD0];
	v13 =	vperm.xlane v0, v6  }
0x75: {  	v7 =	vadd.f32 v9, v7;
	v3 =	vld [tilespmem:s19+$0x80];
	v5 =	vadd.f32 v12, v5;
	v9 =	vperm.xlane v0, v11  }
0x76: {  	v10 =	vadd.f32 v18, v10;
	v8 =	vadd.f32 v19, v8;
	v4 =	vld [tilespmem:s19+$0x90];
	v12 =	vperm.xlane v0, v14  }
.Ltmp2:
0x77: {  	v7 =	vadd.f32 v13, v7;
	v6 =	vld [tilespmem:s19+$0x40];
	v5 =	vadd.f32 v9, v5;
	v13 =	vperm.xlane v0, v15;
	(pc) =	sbr.rel @p0 .LBB2_6-.Ltmp2, $4  }
0x78: {  	v10 =	vadd.f32 v16, v10;
	v8 =	vadd.f32 v17, v8;
	v9 =	vld [tilespmem:s19+$0x50]  }
0x79: {  	v7 =	vadd.f32 v12, v7;
	v11 =	vld [tilespmem:s19+$0x0];
	v5 =	vadd.f32 v13, v5  }
0x7a: {  	v13 =	vld [tilespmem:s19+$0x10]  }
0x7b: {  	s20 =	sadd.s32 $0x400, s20;
	v12 =	vld [tilespmem:s19+$0x20]  }
0x7c: {  	v14 =	vld [tilespmem:s19+$0x30]  }
0x7d: {  	v15 =	vld [tilespmem:s19+$0x60]  }
0x7e: {  	v16 =	vld [tilespmem:s19+$0x70]  }
0x7f: {  	v17 =	vld [tilespmem:s19+$0xA0]  }
0x80: {  	v18 =	vld [tilespmem:s19+$0xB0]  }
0x81: {  	v19 =	vld [tilespmem:s19+$0xE0];
	v21 =	vperm.xlane v0, v1  }
0x82: {  	v20 =	vld [tilespmem:s19+$0xF0];
	_ =	swait.ge [sflag:s16], $0x6400;
	v22 =	vperm.xlane v0, v2;
	v1 =	vperm.xlane v0, v11  }
0x83: {  	v6 =	vperm.xlane v0, v6;
	[sflag:s16] =	ssyncset.done $0x0;
	v11 =	vperm.xlane v0, v3  }
0x84: {  	s19 =	simm.s32 $0x0;
	[sflag:s16] =	ssyncadd.s32 $0xFFFF9C00;
	v2 =	vperm.xlane v0, v13;
	v10 =	vadd.f32 v1, v10;
	v1 =	vperm.xlane v0, v12  }
0x85: {  	v12 =	vperm.xlane v0, v4;
	v4 =	vld [tilespmem:s19+$0x6480];
	v3 =	vperm.xlane v0, v14  }
0x86: {  	v9 =	vperm.xlane v0, v9;
	v8 =	vadd.f32 v2, v8;
	v2 =	vld [tilespmem:s19+$0x64C0];
	v13 =	vperm.xlane v0, v15  }
0x87: {  	v14 =	vperm.xlane v0, v16;
	v7 =	vadd.f32 v1, v7;
	v1 =	vld [tilespmem:s19+$0x64D0];
	v5 =	vadd.f32 v3, v5  }
0x88: {  	v15 =	vperm.xlane v0, v17;
	v6 =	vadd.f32 v6, v10;
	v10 =	vld [tilespmem:s19+$0x6450];
	v8 =	vadd.f32 v9, v8  }
0x89: {  	v3 =	vld [tilespmem:s19+$0x6490];
	v7 =	vadd.f32 v13, v7;
	v13 =	vperm.xlane v0, v18;
	v5 =	vadd.f32 v14, v5  }
0x8a: {  	v63 =	vperm.xlane v0, v20;
	v9 =	vld [tilespmem:s19+$0x6440];
	v6 =	vadd.f32 v11, v6;
	v8 =	vadd.f32 v12, v8  }
0x8b: {  	v11 =	vld [tilespmem:s19+$0x6400];
	v14 =	vperm.xlane v0, v19;
	v15 =	vadd.f32 v15, v7;
	v13 =	vadd.f32 v13, v5  }
0x8c: {  	v12 =	vld [tilespmem:s19+$0x6410];
	v7 =	vadd.f32 v21, v6;
	v8 =	vadd.f32 v22, v8  }
0x8d: {  	s20 =	simm.s32 $0x400;
	v5 =	vadd.f32 v14, v15;
	v6 =	vadd.f32 v63, v13;
	v13 =	vld [tilespmem:s19+$0x6420]  }
.LBB2_8:
0x8e: {  	p0 =	sne.s32 s20, $0x18C00;
	v14 =	vld [tilespmem:s19+$0x6430]  }
0x8f: {  	v16 =	vperm.xlane v0, v2;
	v17 =	vperm.xlane v0, v1;
	v15 =	vld [tilespmem:s19+$0x6460]  }
0x90: {  	v18 =	vperm.xlane v0, v4;
	v19 =	vperm.xlane v0, v3;
	v1 =	vld [tilespmem:s19+$0x6470]  }
0x91: {  	v3 =	vperm.xlane v0, v9;
	v4 =	vperm.xlane v0, v10;
	v9 =	vld [tilespmem:s19+$0x64A0]  }
0x92: {  	v2 =	vperm.xlane v0, v11;
	v10 =	vperm.xlane v0, v12;
	v11 =	vld [tilespmem:s19+$0x64B0]  }
0x93: {  	v12 =	vperm.xlane v0, v13;
	v13 =	vperm.xlane v0, v14;
	v14 =	vld [tilespmem:s19+$0x64E0]  }
0x94: {  	v7 =	vadd.f32 v2, v7;
	v8 =	vadd.f32 v10, v8;
	v10 =	vperm.xlane v0, v15;
	v15 =	vld [tilespmem:s19+$0x64F0];
	s19 =	sshra.s32 s20, $0x2  }
0x95: {  	v5 =	vadd.f32 v12, v5;
	v2 =	vld [tilespmem:s19+$0x64C0];
	v6 =	vadd.f32 v13, v6;
	v12 =	vperm.xlane v0, v1  }
0x96: {  	v7 =	vadd.f32 v3, v7;
	v8 =	vadd.f32 v4, v8;
	v1 =	vld [tilespmem:s19+$0x64D0];
	v13 =	vperm.xlane v0, v9  }
0x97: {  	v5 =	vadd.f32 v10, v5;
	v4 =	vld [tilespmem:s19+$0x6480];
	v6 =	vadd.f32 v12, v6;
	v10 =	vperm.xlane v0, v11  }
0x98: {  	v7 =	vadd.f32 v18, v7;
	v8 =	vadd.f32 v19, v8;
	v3 =	vld [tilespmem:s19+$0x6490];
	v12 =	vperm.xlane v0, v14  }
.Ltmp3:
0x99: {  	v5 =	vadd.f32 v13, v5;
	v9 =	vld [tilespmem:s19+$0x6440];
	v6 =	vadd.f32 v10, v6;
	v13 =	vperm.xlane v0, v15;
	(pc) =	sbr.rel @p0 .LBB2_8-.Ltmp3, $4  }
0x9a: {  	v7 =	vadd.f32 v16, v7;
	v8 =	vadd.f32 v17, v8;
	v10 =	vld [tilespmem:s19+$0x6450]  }
0x9b: {  	v5 =	vadd.f32 v12, v5;
	v11 =	vld [tilespmem:s19+$0x6400];
	v6 =	vadd.f32 v13, v6  }
0x9c: {  	v12 =	vld [tilespmem:s19+$0x6410]  }
0x9d: {  	s20 =	sadd.s32 $0x400, s20;
	v13 =	vld [tilespmem:s19+$0x6420]  }
0x9e: {  	v14 =	vld [tilespmem:s19+$0x6430]  }
0x9f: {  	v15 =	vld [tilespmem:s19+$0x6460];
	v2 =	vperm.xlane v0, v2  }
0xa0: {  	v16 =	vld [tilespmem:s19+$0x6470];
	v4 =	vperm.xlane v0, v4;
	v9 =	vperm.xlane v0, v9  }
0xa1: {  	v17 =	vld [tilespmem:s19+$0x64A0];
	v11 =	vperm.xlane v0, v11;
	v12 =	vperm.xlane v0, v12  }
0xa2: {  	v3 =	vperm.xlane v0, v3;
	v13 =	vperm.xlane v0, v13  }
0xa3: {  	v18 =	vld [tilespmem:s19+$0x64B0];
	v10 =	vperm.xlane v0, v10;
	v7 =	vadd.f32 v11, v7;
	v8 =	vadd.f32 v12, v8  }
0xa4: {  	v54 =	vld [tilespmem:s19+$0x64E0];
	v14 =	vperm.xlane v0, v14;
	v55 =	vperm.xlane v0, v15;
	v5 =	vadd.f32 v13, v5  }
0xa5: {  	v57 =	vperm.xlane v0, v16;
	v7 =	vadd.f32 v9, v7;
	v8 =	vadd.f32 v10, v8  }
0xa6: {  	v56 =	vld [tilespmem:s19+$0x64F0];
	v58 =	vperm.xlane v0, v17;
	v6 =	vadd.f32 v14, v6;
	v5 =	vadd.f32 v55, v5  }
0xa7: {  	v1 =	vperm.xlane v0, v1;
	v4 =	vadd.f32 v4, v7;
	v3 =	vadd.f32 v3, v8  }
0xa8: {  	v59 =	vperm.xlane v0, v18;
	v6 =	vadd.f32 v57, v6;
	v5 =	vadd.f32 v58, v5  }
0xa9: {  	v60 =	vperm.xlane v0, v54;
	v2 =	vadd.f32 v2, v4;
	v1 =	vadd.f32 v1, v3  }
0xaa: {  	v61 =	vadd.f32 v59, v6  }
0xab: {  	v62 =	vperm.xlane v0, v56;
	v63 =	vadd.f32 v60, v5;
	v1 =	vadd.f32 v1, v2;
	_ =	sdelay $0x1  }
0xac: {  	v0 =	vadd.f32 v62, v61;
	v1 =	vadd.f32 v63, v1;
	_ =	sdelay $0x1  }
0xad: {  	s18 =	sadd.s32 $0x1, s18;
	v0 =	vadd.f32 v0, v1  }
0xae: {  	p0 =	sne.s32 s18, s9  }
.Ltmp4:
0xaf: {  	[tilespmem:$0xC900] =	vst v0;
	(pc) =	sbr.rel @p0 .LBB2_1-.Ltmp4, $4  }
0xb0: {  	[hbm4b:s8+s2] =	stream.linear.scatter [tilespmem:s17], [sflag:$0x3], $0x80, $0x38;
	[tilespmem:$0xC980] =	vst v63  }
0xb1: {  	_ =	swait.ge [sflag:s14], $0x80  }
0xb2: {  	[sflag:s14] =	ssyncset.done $0x0  }
0xb3: {  	[sflag:s14] =	ssyncadd.s32 $0xFFFFFF80  }
0xb4: {  	_ =	sfence.sel $0x180000  }
0xb5: {  	[bflag:$0x0] =	sbarrier.arrive $0xFFFF  }
0xb6: {  	p0 =	sne.s32 s1, $0x0;
	_ =	strace $0x90000047  }
0xb7: {  	s0 =	sadd.s32 @!p0 $0x100000, s0;
	[bflag:$0x2] =	sbarrier.arrive $0xFFFF  }
0xb8: {  	[sflag:s0] =	ssyncadd.tile.s32 @!p0 $0x1;
	_ =	shalt  }
.Lfunc_end2:
_tile_overlayer_lowered:
.L_overlay_start_2:
0xb9: {  	(tag) =	ssettag $0x2  }
0xba: {  	s0 =	rddreg [dreg:$0x0];
	s2 =	stileid.u32  }
0xbb: {  	s1 =	rddreg [dreg:$0x1];
	p0 =	sne.s32 s2, $0x0  }
0xbc: {  	s3 =	rddreg [dreg:$0x2];
	[bflag:$0x3] =	sbarrier.arrive $0xFFFF;
	s2 =	simm.s32 @!p0 $0x1C03  }
0xbd: {  	[timem:s3], [sflag:s2] =	dma.local @!p0 [hbm:s0], s1  }
0xbe: {  	s0 =	simm.s32 @!p0 $0x3  }
0xbf: {  	_ =	swait.ge @!p0 [sflag:s0], s1  }
0xc0: {  	s1 =	ssub.s32 @!p0 $0x0, s1;
	[sflag:s0] =	ssyncset.done @!p0 $0x0  }
0xc1: {  	[sflag:s0] =	ssyncadd.s32 @!p0 s1  }
0xc2: {  	[bflag:$0x3] =	sbarrier.arrive $0xFFFF  }
0xc3: {  	_ =	shalt  }

</sc_bundles>
